<compile_context>
chip_gen: v7x
topology: tpu7x:2x2x1
jax: 0.10.2.dev20260603
libtpu: 0.0.44.dev20260713+nightly
codegen_flags: <defaults>
</compile_context>

<pallas_src>
import functools

import jax
import jax.numpy as jnp
from jax import lax
from jax.experimental import pallas as pl
from jax.experimental.pallas import tpu as pltpu
from jax.experimental.pallas import tpu_sc as plsc


def _sc_partial_sumsq(logits, label, table, row0, bsc):
    _, P = logits.shape
    L = table.shape[0]
    info = plsc.get_sparse_core_info()
    NC, NS, LN = info.num_cores, info.num_subcores, info.num_lanes
    NW = NC * NS
    rows_per = bsc // NW
    CH = rows_per // 2
    nch = rows_per // CH
    NB = nch

    mesh = plsc.VectorSubcoreMesh(core_axis_name="c", subcore_axis_name="s")

    @functools.partial(
        pl.kernel,
        mesh=mesh,
        out_type=jax.ShapeDtypeStruct((bsc,), jnp.float32),
        compiler_params=pltpu.CompilerParams(needs_layout_passes=False),
        scratch_types=[
            pltpu.VMEM((rows_per,), jnp.int32),
            pltpu.VMEM((L, P), jnp.float32),
            pltpu.VMEM((CH, P), jnp.float32),
            pltpu.VMEM((CH, P), jnp.float32),
            pltpu.VMEM((CH,), jnp.float32),
            pltpu.VMEM((CH,), jnp.float32),
            pltpu.SemaphoreType.DMA,
            pltpu.SemaphoreType.DMA,
            pltpu.SemaphoreType.DMA,
            pltpu.SemaphoreType.DMA,
        ],
    )
    def k(logits_hbm, label_hbm, table_hbm, out_hbm, idx_v, tab_v,
          log_v0, log_v1, out_v0, out_v1, lsem0, lsem1, osem0, osem1):
        wid = lax.axis_index("s") * NC + lax.axis_index("c")
        obase = pl.multiple_of(wid * rows_per, 8)
        base = row0 + obase
        logs = (log_v0, log_v1)
        outs = (out_v0, out_v1)
        lsems = (lsem0, lsem1)
        osems = (osem0, osem1)

        lcp = [pltpu.async_copy(
            logits_hbm.at[pl.ds(base + ci * CH, CH)], logs[ci], lsems[ci])
            for ci in range(nch)]
        pltpu.sync_copy(label_hbm.at[pl.ds(base, rows_per)], idx_v)
        pltpu.sync_copy(table_hbm, tab_v)

        iota = lax.iota(jnp.int32, LN)
        cols = [iota + j * LN for j in range(P // LN)]
        last = jnp.full((LN,), LN - 1, jnp.int32)
        z16 = jnp.zeros((LN,), jnp.float32)

        ocp = [None] * nch
        for ci in range(nch):
            b = ci % NB
            lcp[ci].wait()
            log_v = logs[b]
            out_v = outs[b]
            coff = ci * CH

            @plsc.parallel_loop(0, CH, 1, unroll=1, carry=z16)
            def row(r, sel):
                labv = plsc.load_gather(
                    idx_v, [jnp.full((LN,), coff + r, jnp.int32)])
                acc = jnp.zeros((LN,), jnp.float32)
                for j in range(P // LN):
                    t = plsc.load_gather(tab_v, [labv, cols[j]])
                    d = log_v[r, pl.ds(j * LN, LN)] - t
                    acc = acc + d * d
                cs = jnp.cumsum(acc)
                tot = jnp.take(cs, last)
                lane = r % LN
                sel = jnp.where(iota == lane, tot, sel)
                done = lane == LN - 1

                @pl.when(done)
                def _():
                    out_v[pl.ds((r // LN) * LN, LN)] = sel

                return jnp.where(done, z16, sel)

            ocp[ci] = pltpu.async_copy(
                out_v, out_hbm.at[pl.ds(obase + ci * CH, CH)], osems[b])
        for ci in range(nch):
            ocp[ci].wait()

    return k(logits, label, table)


def _tc_head(logits, label, table, btc):
    L, P = table.shape

    def body(x_ref, lab_ref, tab_ref, o_ref):
        lab = lab_ref[...]
        one_hot = (lab[:, None] ==
                   lax.broadcasted_iota(jnp.int32, (btc, L), 1))
        gathered = jnp.dot(one_hot.astype(jnp.float32), tab_ref[...],
                           preferred_element_type=jnp.float32)
        diff = x_ref[...] - gathered
        rowsum = jnp.sum(diff * diff, axis=1)
        o_ref[0, 0] = jnp.sum(jnp.sqrt(rowsum))

    out = pl.pallas_call(
        body,
        grid=(1,),
        in_specs=[
            pl.BlockSpec((btc, P), lambda i: (0, 0)),
            pl.BlockSpec((btc,), lambda i: (0,)),
            pl.BlockSpec((L, P), lambda i: (0, 0)),
        ],
        out_specs=pl.BlockSpec(memory_space=pltpu.SMEM),
        out_shape=jax.ShapeDtypeStruct((1, 1), jnp.float32),
    )(logits, label, table)
    return out


def _tc_finish(x, head_sum, B):

    def body(x_ref, h_ref, o_ref):
        o_ref[0, 0] = (jnp.sum(jnp.sqrt(x_ref[...])) + h_ref[0, 0]) / B

    out = pl.pallas_call(
        body,
        in_specs=[
            pl.BlockSpec(memory_space=pltpu.VMEM),
            pl.BlockSpec(memory_space=pltpu.SMEM),
        ],
        out_shape=jax.ShapeDtypeStruct((1, 1), jnp.float32),
        out_specs=pl.BlockSpec(memory_space=pltpu.SMEM),
    )(x, head_sum)
    return out[0, 0]


def kernel(logits, label, mean_expand):
    B = logits.shape[0]
    btc = 11 * B // 16
    bsc = B - btc
    label = label.astype(jnp.int32)
    head = _tc_head(logits, label, mean_expand, btc)
    part = _sc_partial_sumsq(logits, label, mean_expand, btc, bsc)
    return _tc_finish(part, head, B)

# --- scband reference (transcript-rebuilt; emitter-appended) ---
"""Pipeline reference for scband-mmc-loss-11192684773845 (READ-ONLY COPY).

The authoritative reference and input builder live on the scoring server;
editing this copy changes nothing except your own understanding.
"""

import jax, jax.numpy as jnp
import numpy as np


def _generate_opt_means(C, p, L):
    opt_means = np.zeros((L, p))
    opt_means[0][0] = 1
    for i in range(1, L):
        for j in range(i):
            opt_means[i][j] = -(1 / (L - 1) + np.dot(opt_means[i], opt_means[j])) / opt_means[j][j]
        opt_means[i][i] = np.sqrt(1 - np.linalg.norm(opt_means[i]) ** 2)
    opt_means = C * opt_means
    return opt_means


def setup_inputs(seed: int = 0) -> dict:
    key = jax.random.key(seed)
    k1, k2 = jax.random.split(key)
    B, P, L = 16384, 128, 100
    logits = jax.random.normal(k1, (B, P), dtype=jnp.float32)
    label = jax.random.randint(k2, (B,), 0, L, dtype=jnp.int64)
    mean_expand = jnp.asarray(_generate_opt_means(1.0, P, L), dtype=jnp.float32)
    return {"logits": logits, "label": label, "mean_expand": mean_expand}


def reference(logits, label, mean_expand):
    # gather class means per-sample (SparseCore-friendly gather), then L2 norm + mean
    gathered = jnp.take(mean_expand, label, axis=0)
    diff = logits - gathered
    per_sample = jnp.sqrt(jnp.sum(diff * diff, axis=1))
    return jnp.mean(per_sample, axis=0)

if __name__ == "__main__":
    import jax
    _d = setup_inputs()
    print(jax.jit(kernel)(*tuple(_d.values())))

</pallas_src>

<mosaic_0001>
#map = affine_map<(d0, d1) -> (0, 0)>
#map1 = affine_map<(d0, d1) -> (0)>
module attributes {stable_mosaic.version = 14 : i64} {
  func.func @k(%arg0: i32, %arg1: i32, %arg2: memref<16384x128xf32, #tpu.memory_space<hbm>>, %arg3: memref<16384xi32, #tpu.memory_space<hbm>>, %arg4: memref<100x128xf32, #tpu.memory_space<hbm>>, %arg5: memref<5120xf32, #tpu.memory_space<hbm>>, %arg6: memref<160xi32, #tpu.memory_space<vmem>>, %arg7: memref<100x128xf32, #tpu.memory_space<vmem>>, %arg8: memref<80x128xf32, #tpu.memory_space<vmem>>, %arg9: memref<80x128xf32, #tpu.memory_space<vmem>>, %arg10: memref<80xf32, #tpu.memory_space<vmem>>, %arg11: memref<80xf32, #tpu.memory_space<vmem>>, %arg12: memref<!tpu.dma_semaphore, #tpu.memory_space<semaphore_mem>>, %arg13: memref<!tpu.dma_semaphore, #tpu.memory_space<semaphore_mem>>, %arg14: memref<!tpu.dma_semaphore, #tpu.memory_space<semaphore_mem>>, %arg15: memref<!tpu.dma_semaphore, #tpu.memory_space<semaphore_mem>>) attributes {dimension_semantics = [#tpu.dimension_semantics<core_parallel>, #tpu.dimension_semantics<subcore_parallel>], iteration_bounds = array<i64: 2, 16>, scalar_prefetch = 0 : i64, scratch_operands = 10 : i64, tpu.core_type = #tpu.core_type<sc_vector_subcore>, window_params = [{transform_indices = #map}, {transform_indices = #map1}, {transform_indices = #map}, {transform_indices = #map1}]} {
    %mul3A = arith.constant 2 : i32
    %mul3A_0 = arith.muli %arg1, %mul3A : i32
    %add3A = arith.addi %mul3A_0, %arg0 : i32
    %mul3A_1 = arith.constant 160 : i32
    %mul3A_2 = arith.muli %add3A, %mul3A_1 : i32
    %multiple_of3A = tpu.assume_multiple %mul3A_2, 8 : i32
    %add3A_3 = arith.constant 11264 : i32
    %add3A_4 = arith.addi %add3A_3, %multiple_of3A : i32
    %add3A_5 = arith.constant 0 : i32
    %add3A_6 = arith.addi %add3A_4, %add3A_5 : i32
    %dma_start3A = arith.constant 0 : i32
    %dma_start3A_7 = tpu.memref_slice %arg2[%add3A_6, %dma_start3A] : memref<16384x128xf32, #tpu.memory_space<hbm>> -> memref<80x128xf32, #tpu.memory_space<hbm>>
    %dma_start3A_8 = arith.constant 0 : i32
    %dma_start3A_9 = tpu.memref_slice %arg2[%add3A_6, %dma_start3A_8] : memref<16384x128xf32, #tpu.memory_space<hbm>> -> memref<80x128xf32, #tpu.memory_space<hbm>>
    tpu.enqueue_dma source(%dma_start3A_9 : memref<80x128xf32, #tpu.memory_space<hbm>>) target(%arg8 : memref<80x128xf32, #tpu.memory_space<vmem>>) target_semaphore(%arg12 : memref<!tpu.dma_semaphore, #tpu.memory_space<semaphore_mem>>)
    %add3A_10 = arith.constant 80 : i32
    %add3A_11 = arith.addi %add3A_4, %add3A_10 : i32
    %dma_start3A_12 = arith.constant 0 : i32
    %dma_start3A_13 = tpu.memref_slice %arg2[%add3A_11, %dma_start3A_12] : memref<16384x128xf32, #tpu.memory_space<hbm>> -> memref<80x128xf32, #tpu.memory_space<hbm>>
    %dma_start3A_14 = arith.constant 0 : i32
    %dma_start3A_15 = tpu.memref_slice %arg2[%add3A_11, %dma_start3A_14] : memref<16384x128xf32, #tpu.memory_space<hbm>> -> memref<80x128xf32, #tpu.memory_space<hbm>>
    tpu.enqueue_dma source(%dma_start3A_15 : memref<80x128xf32, #tpu.memory_space<hbm>>) target(%arg9 : memref<80x128xf32, #tpu.memory_space<vmem>>) target_semaphore(%arg13 : memref<!tpu.dma_semaphore, #tpu.memory_space<semaphore_mem>>)
    "tpu.region"() ({
      %run_scoped3A = tpu.sem_alloc : memref<!tpu.dma_semaphore, #tpu.memory_space<semaphore_mem>>
      %dma_start3A_69 = tpu.memref_slice %arg3[%add3A_4] : memref<16384xi32, #tpu.memory_space<hbm>> -> memref<160xi32, #tpu.memory_space<hbm>>
      %dma_start3A_70 = tpu.memref_slice %arg3[%add3A_4] : memref<16384xi32, #tpu.memory_space<hbm>> -> memref<160xi32, #tpu.memory_space<hbm>>
      tpu.enqueue_dma source(%dma_start3A_70 : memref<160xi32, #tpu.memory_space<hbm>>) target(%arg6 : memref<160xi32, #tpu.memory_space<vmem>>) target_semaphore(%run_scoped3A : memref<!tpu.dma_semaphore, #tpu.memory_space<semaphore_mem>>)
      %dma_wait3A_71 = tpu.memref_slice %arg3[%add3A_4] : memref<16384xi32, #tpu.memory_space<hbm>> -> memref<160xi32, #tpu.memory_space<hbm>>
      %dma_wait3A_72 = tpu.memref_slice %arg3[%add3A_4] : memref<16384xi32, #tpu.memory_space<hbm>> -> memref<160xi32, #tpu.memory_space<hbm>>
      tpu.wait_dma2 semaphore(%run_scoped3A : memref<!tpu.dma_semaphore, #tpu.memory_space<semaphore_mem>>) src(%dma_wait3A_72 : memref<160xi32, #tpu.memory_space<hbm>>) dst(%arg6 : memref<160xi32, #tpu.memory_space<vmem>>)
      tpu.yield
    }) : () -> ()
    "tpu.region"() ({
      %run_scoped3A = tpu.sem_alloc : memref<!tpu.dma_semaphore, #tpu.memory_space<semaphore_mem>>
      tpu.enqueue_dma source(%arg4 : memref<100x128xf32, #tpu.memory_space<hbm>>) target(%arg7 : memref<100x128xf32, #tpu.memory_space<vmem>>) target_semaphore(%run_scoped3A : memref<!tpu.dma_semaphore, #tpu.memory_space<semaphore_mem>>)
      tpu.wait_dma2 semaphore(%run_scoped3A : memref<!tpu.dma_semaphore, #tpu.memory_space<semaphore_mem>>) src(%arg4 : memref<100x128xf32, #tpu.memory_space<hbm>>) dst(%arg7 : memref<100x128xf32, #tpu.memory_space<vmem>>)
      tpu.yield
    }) : () -> ()
    %iota3A = tpu.iota {dimensions = array<i32: 0>} : vector<16xi32>
    %add3A_16 = arith.constant 0 : i32
    %add3A_17 = vector.broadcast %add3A_16 : i32 to vector<16xi32>
    %add3A_18 = arith.addi %iota3A, %add3A_17 : vector<16xi32>
    %add3A_19 = arith.constant 16 : i32
    %add3A_20 = vector.broadcast %add3A_19 : i32 to vector<16xi32>
    %add3A_21 = arith.addi %iota3A, %add3A_20 : vector<16xi32>
    %add3A_22 = arith.constant 32 : i32
    %add3A_23 = vector.broadcast %add3A_22 : i32 to vector<16xi32>
    %add3A_24 = arith.addi %iota3A, %add3A_23 : vector<16xi32>
    %add3A_25 = arith.constant 48 : i32
    %add3A_26 = vector.broadcast %add3A_25 : i32 to vector<16xi32>
    %add3A_27 = arith.addi %iota3A, %add3A_26 : vector<16xi32>
    %add3A_28 = arith.constant 64 : i32
    %add3A_29 = vector.broadcast %add3A_28 : i32 to vector<16xi32>
    %add3A_30 = arith.addi %iota3A, %add3A_29 : vector<16xi32>
    %add3A_31 = arith.constant 80 : i32
    %add3A_32 = vector.broadcast %add3A_31 : i32 to vector<16xi32>
    %add3A_33 = arith.addi %iota3A, %add3A_32 : vector<16xi32>
    %add3A_34 = arith.constant 96 : i32
    %add3A_35 = vector.broadcast %add3A_34 : i32 to vector<16xi32>
    %add3A_36 = arith.addi %iota3A, %add3A_35 : vector<16xi32>
    %add3A_37 = arith.constant 112 : i32
    %add3A_38 = vector.broadcast %add3A_37 : i32 to vector<16xi32>
    %add3A_39 = arith.addi %iota3A, %add3A_38 : vector<16xi32>
    %broadcast_in_dim3A = arith.constant 15 : i32
    %broadcast_in_dim3A_40 = vector.broadcast %broadcast_in_dim3A : i32 to vector<16xi32>
    %broadcast_in_dim3A_41 = arith.constant 0.000000e+00 : f32
    %broadcast_in_dim3A_42 = vector.broadcast %broadcast_in_dim3A_41 : f32 to vector<16xf32>
    %dma_wait3A = arith.constant 0 : i32
    %dma_wait3A_43 = tpu.memref_slice %arg2[%add3A_6, %dma_wait3A] : memref<16384x128xf32, #tpu.memory_space<hbm>> -> memref<80x128xf32, #tpu.memory_space<hbm>>
    %dma_wait3A_44 = arith.constant 0 : i32
    %dma_wait3A_45 = tpu.memref_slice %arg2[%add3A_6, %dma_wait3A_44] : memref<16384x128xf32, #tpu.memory_space<hbm>> -> memref<80x128xf32, #tpu.memory_space<hbm>>
    tpu.wait_dma2 semaphore(%arg12 : memref<!tpu.dma_semaphore, #tpu.memory_space<semaphore_mem>>) src(%dma_wait3A_45 : memref<80x128xf32, #tpu.memory_space<hbm>>) dst(%arg8 : memref<80x128xf32, #tpu.memory_space<vmem>>)
    %parallel_loop3A = arith.constant 0 : i32
    %parallel_loop3A_46 = arith.constant 80 : i32
    %parallel_loop3A_47 = arith.constant 1 : i32
    %parallel_loop3A_48 = scf.for %parallel_loop3A_69 = %parallel_loop3A to %parallel_loop3A_46 step %parallel_loop3A_47 iter_args(%parallel_loop3A_70 = %broadcast_in_dim3A_42) -> (vector<16xf32>)  : i32 {
      %parallel_loop3A_71 = arith.constant 0 : i32
      %parallel_loop3A_72 = arith.addi %parallel_loop3A_71, %parallel_loop3A_69 : i32
      %parallel_loop3A_73 = vector.broadcast %parallel_loop3A_72 : i32 to vector<16xi32>
      %parallel_loop3A_74 = tpu.vector_load_idx %arg6[%parallel_loop3A_73] : memref<160xi32, #tpu.memory_space<vmem>>[vector<16xi32>], vector<16xi32>,
      %parallel_loop3A_75 = arith.constant 0.000000e+00 : f32
      %parallel_loop3A_76 = vector.broadcast %parallel_loop3A_75 : f32 to vector<16xf32>
      %parallel_loop3A_77 = tpu.vector_load_idx %arg7[%parallel_loop3A_74, %add3A_18] : memref<100x128xf32, #tpu.memory_space<vmem>>[vector<16xi32>, vector<16xi32>], vector<16xf32>,
      %parallel_loop3A_78 = arith.index_cast %parallel_loop3A_69 : i32 to index
      %parallel_loop3A_79 = arith.constant 0 : index
      %parallel_loop3A_80 = tpu.vector_load %arg8[%parallel_loop3A_78, %parallel_loop3A_79] {strides = array<i32>} : memref<80x128xf32, #tpu.memory_space<vmem>>, vector<16xf32>,
      %parallel_loop3A_81 = arith.subf %parallel_loop3A_80, %parallel_loop3A_77 : vector<16xf32>
      %parallel_loop3A_82 = arith.mulf %parallel_loop3A_81, %parallel_loop3A_81 : vector<16xf32>
      %parallel_loop3A_83 = arith.addf %parallel_loop3A_76, %parallel_loop3A_82 : vector<16xf32>
      %parallel_loop3A_84 = tpu.vector_load_idx %arg7[%parallel_loop3A_74, %add3A_21] : memref<100x128xf32, #tpu.memory_space<vmem>>[vector<16xi32>, vector<16xi32>], vector<16xf32>,
      %parallel_loop3A_85 = arith.index_cast %parallel_loop3A_69 : i32 to index
      %parallel_loop3A_86 = arith.constant 16 : index
      %parallel_loop3A_87 = tpu.vector_load %arg8[%parallel_loop3A_85, %parallel_loop3A_86] {strides = array<i32>} : memref<80x128xf32, #tpu.memory_space<vmem>>, vector<16xf32>,
      %parallel_loop3A_88 = arith.subf %parallel_loop3A_87, %parallel_loop3A_84 : vector<16xf32>
      %parallel_loop3A_89 = arith.mulf %parallel_loop3A_88, %parallel_loop3A_88 : vector<16xf32>
      %parallel_loop3A_90 = arith.addf %parallel_loop3A_83, %parallel_loop3A_89 : vector<16xf32>
      %parallel_loop3A_91 = tpu.vector_load_idx %arg7[%parallel_loop3A_74, %add3A_24] : memref<100x128xf32, #tpu.memory_space<vmem>>[vector<16xi32>, vector<16xi32>], vector<16xf32>,
      %parallel_loop3A_92 = arith.index_cast %parallel_loop3A_69 : i32 to index
      %parallel_loop3A_93 = arith.constant 32 : index
      %parallel_loop3A_94 = tpu.vector_load %arg8[%parallel_loop3A_92, %parallel_loop3A_93] {strides = array<i32>} : memref<80x128xf32, #tpu.memory_space<vmem>>, vector<16xf32>,
      %parallel_loop3A_95 = arith.subf %parallel_loop3A_94, %parallel_loop3A_91 : vector<16xf32>
      %parallel_loop3A_96 = arith.mulf %parallel_loop3A_95, %parallel_loop3A_95 : vector<16xf32>
      %parallel_loop3A_97 = arith.addf %parallel_loop3A_90, %parallel_loop3A_96 : vector<16xf32>
      %parallel_loop3A_98 = tpu.vector_load_idx %arg7[%parallel_loop3A_74, %add3A_27] : memref<100x128xf32, #tpu.memory_space<vmem>>[vector<16xi32>, vector<16xi32>], vector<16xf32>,
      %parallel_loop3A_99 = arith.index_cast %parallel_loop3A_69 : i32 to index
      %parallel_loop3A_100 = arith.constant 48 : index
      %parallel_loop3A_101 = tpu.vector_load %arg8[%parallel_loop3A_99, %parallel_loop3A_100] {strides = array<i32>} : memref<80x128xf32, #tpu.memory_space<vmem>>, vector<16xf32>,
      %parallel_loop3A_102 = arith.subf %parallel_loop3A_101, %parallel_loop3A_98 : vector<16xf32>
      %parallel_loop3A_103 = arith.mulf %parallel_loop3A_102, %parallel_loop3A_102 : vector<16xf32>
      %parallel_loop3A_104 = arith.addf %parallel_loop3A_97, %parallel_loop3A_103 : vector<16xf32>
      %parallel_loop3A_105 = tpu.vector_load_idx %arg7[%parallel_loop3A_74, %add3A_30] : memref<100x128xf32, #tpu.memory_space<vmem>>[vector<16xi32>, vector<16xi32>], vector<16xf32>,
      %parallel_loop3A_106 = arith.index_cast %parallel_loop3A_69 : i32 to index
      %parallel_loop3A_107 = arith.constant 64 : index
      %parallel_loop3A_108 = tpu.vector_load %arg8[%parallel_loop3A_106, %parallel_loop3A_107] {strides = array<i32>} : memref<80x128xf32, #tpu.memory_space<vmem>>, vector<16xf32>,
      %parallel_loop3A_109 = arith.subf %parallel_loop3A_108, %parallel_loop3A_105 : vector<16xf32>
      %parallel_loop3A_110 = arith.mulf %parallel_loop3A_109, %parallel_loop3A_109 : vector<16xf32>
      %parallel_loop3A_111 = arith.addf %parallel_loop3A_104, %parallel_loop3A_110 : vector<16xf32>
      %parallel_loop3A_112 = tpu.vector_load_idx %arg7[%parallel_loop3A_74, %add3A_33] : memref<100x128xf32, #tpu.memory_space<vmem>>[vector<16xi32>, vector<16xi32>], vector<16xf32>,
      %parallel_loop3A_113 = arith.index_cast %parallel_loop3A_69 : i32 to index
      %parallel_loop3A_114 = arith.constant 80 : index
      %parallel_loop3A_115 = tpu.vector_load %arg8[%parallel_loop3A_113, %parallel_loop3A_114] {strides = array<i32>} : memref<80x128xf32, #tpu.memory_space<vmem>>, vector<16xf32>,
      %parallel_loop3A_116 = arith.subf %parallel_loop3A_115, %parallel_loop3A_112 : vector<16xf32>
      %parallel_loop3A_117 = arith.mulf %parallel_loop3A_116, %parallel_loop3A_116 : vector<16xf32>
      %parallel_loop3A_118 = arith.addf %parallel_loop3A_111, %parallel_loop3A_117 : vector<16xf32>
      %parallel_loop3A_119 = tpu.vector_load_idx %arg7[%parallel_loop3A_74, %add3A_36] : memref<100x128xf32, #tpu.memory_space<vmem>>[vector<16xi32>, vector<16xi32>], vector<16xf32>,
      %parallel_loop3A_120 = arith.index_cast %parallel_loop3A_69 : i32 to index
      %parallel_loop3A_121 = arith.constant 96 : index
      %parallel_loop3A_122 = tpu.vector_load %arg8[%parallel_loop3A_120, %parallel_loop3A_121] {strides = array<i32>} : memref<80x128xf32, #tpu.memory_space<vmem>>, vector<16xf32>,
      %parallel_loop3A_123 = arith.subf %parallel_loop3A_122, %parallel_loop3A_119 : vector<16xf32>
      %parallel_loop3A_124 = arith.mulf %parallel_loop3A_123, %parallel_loop3A_123 : vector<16xf32>
      %parallel_loop3A_125 = arith.addf %parallel_loop3A_118, %parallel_loop3A_124 : vector<16xf32>
      %parallel_loop3A_126 = tpu.vector_load_idx %arg7[%parallel_loop3A_74, %add3A_39] : memref<100x128xf32, #tpu.memory_space<vmem>>[vector<16xi32>, vector<16xi32>], vector<16xf32>,
      %parallel_loop3A_127 = arith.index_cast %parallel_loop3A_69 : i32 to index
      %parallel_loop3A_128 = arith.constant 112 : index
      %parallel_loop3A_129 = tpu.vector_load %arg8[%parallel_loop3A_127, %parallel_loop3A_128] {strides = array<i32>} : memref<80x128xf32, #tpu.memory_space<vmem>>, vector<16xf32>,
      %parallel_loop3A_130 = arith.subf %parallel_loop3A_129, %parallel_loop3A_126 : vector<16xf32>
      %parallel_loop3A_131 = arith.mulf %parallel_loop3A_130, %parallel_loop3A_130 : vector<16xf32>
      %parallel_loop3A_132 = arith.addf %parallel_loop3A_125, %parallel_loop3A_131 : vector<16xf32>
      %parallel_loop3A_133 = arith.constant true
      %parallel_loop3A_134 = vector.broadcast %parallel_loop3A_133 : i1 to vector<16xi1>
      %parallel_loop3A_135 = tpu.scan <sum>, %parallel_loop3A_132 masked %parallel_loop3A_134 : vector<16xf32>, vector<16xi1> -> vector<16xf32>
      %parallel_loop3A_136 = arith.constant 0 : i32
      %parallel_loop3A_137 = vector.broadcast %parallel_loop3A_136 : i32 to vector<16xi32>
      %parallel_loop3A_138 = arith.cmpi slt, %broadcast_in_dim3A_40, %parallel_loop3A_137 : vector<16xi32>
      %parallel_loop3A_139 = arith.constant 16 : i32
      %parallel_loop3A_140 = vector.broadcast %parallel_loop3A_139 : i32 to vector<16xi32>
      %parallel_loop3A_141 = arith.addi %broadcast_in_dim3A_40, %parallel_loop3A_140 : vector<16xi32>
      %parallel_loop3A_142 = arith.select %parallel_loop3A_138, %parallel_loop3A_141, %broadcast_in_dim3A_40 : vector<16xi1>, vector<16xi32>
      %parallel_loop3A_143 = vector.shape_cast %parallel_loop3A_142 : vector<16xi32> to vector<16x1xi32>
      %parallel_loop3A_144 = vector.shape_cast %parallel_loop3A_143 : vector<16x1xi32> to vector<16xi32>
      %parallel_loop3A_145 = tpu.dynamic_gather %parallel_loop3A_135[%parallel_loop3A_144] in [0] : vector<16xf32>, vector<16xi32> -> vector<16xf32>
      %parallel_loop3A_146 = arith.constant 16 : i32
      %parallel_loop3A_147 = arith.constant 0 : i32
      %parallel_loop3A_148 = arith.cmpi eq, %parallel_loop3A_146, %parallel_loop3A_147 : i32
      %parallel_loop3A_149 = arith.constant 1 : i32
      %parallel_loop3A_150 = arith.select %parallel_loop3A_148, %parallel_loop3A_149, %parallel_loop3A_146 : i32
      %parallel_loop3A_151 = arith.remsi %parallel_loop3A_69, %parallel_loop3A_150 : i32
      %parallel_loop3A_152 = arith.constant 0 : i32
      %parallel_loop3A_153 = arith.cmpi ne, %parallel_loop3A_151, %parallel_loop3A_152 : i32
      %parallel_loop3A_154 = arith.constant 0 : i32
      %parallel_loop3A_155 = arith.cmpi slt, %parallel_loop3A_151, %parallel_loop3A_154 : i32
      %parallel_loop3A_156 = arith.constant 0 : i32
      %parallel_loop3A_157 = arith.cmpi slt, %parallel_loop3A_150, %parallel_loop3A_156 : i32
      %parallel_loop3A_158 = arith.xori %parallel_loop3A_155, %parallel_loop3A_157 : i1
      %parallel_loop3A_159 = arith.andi %parallel_loop3A_158, %parallel_loop3A_153 : i1
      %parallel_loop3A_160 = arith.addi %parallel_loop3A_151, %parallel_loop3A_150 : i32
      %parallel_loop3A_161 = arith.select %parallel_loop3A_159, %parallel_loop3A_160, %parallel_loop3A_151 : i32
      %parallel_loop3A_162 = vector.broadcast %parallel_loop3A_161 : i32 to vector<16xi32>
      %parallel_loop3A_163 = arith.cmpi eq, %iota3A, %parallel_loop3A_162 : vector<16xi32>
      %parallel_loop3A_164 = arith.select %parallel_loop3A_163, %parallel_loop3A_145, %parallel_loop3A_70 : vector<16xi1>, vector<16xf32>
      %parallel_loop3A_165 = arith.constant 15 : i32
      %parallel_loop3A_166 = arith.cmpi eq, %parallel_loop3A_161, %parallel_loop3A_165 : i32
      %parallel_loop3A_167 = arith.extui %parallel_loop3A_166 : i1 to i32
      %parallel_loop3A_168 = arith.constant 0 : i32
      %parallel_loop3A_169 = arith.cmpi ne, %parallel_loop3A_167, %parallel_loop3A_168 : i32
      scf.if %parallel_loop3A_169 {
        %parallel_loop3A_171 = arith.constant 16 : i32
        %parallel_loop3A_172 = arith.divsi %parallel_loop3A_69, %parallel_loop3A_171 : i32
        %parallel_loop3A_173 = arith.constant 0 : i32
        %parallel_loop3A_174 = arith.cmpi sgt, %parallel_loop3A_69, %parallel_loop3A_173 : i32
        %parallel_loop3A_175 = arith.extui %parallel_loop3A_174 : i1 to i32
        %parallel_loop3A_176 = arith.constant 0 : i32
        %parallel_loop3A_177 = arith.cmpi slt, %parallel_loop3A_69, %parallel_loop3A_176 : i32
        %parallel_loop3A_178 = arith.extui %parallel_loop3A_177 : i1 to i32
        %parallel_loop3A_179 = arith.subi %parallel_loop3A_175, %parallel_loop3A_178 : i32
        %parallel_loop3A_180 = arith.constant 0 : i32
        %parallel_loop3A_181 = arith.cmpi sgt, %parallel_loop3A_171, %parallel_loop3A_180 : i32
        %parallel_loop3A_182 = arith.extui %parallel_loop3A_181 : i1 to i32
        %parallel_loop3A_183 = arith.constant 0 : i32
        %parallel_loop3A_184 = arith.cmpi slt, %parallel_loop3A_171, %parallel_loop3A_183 : i32
        %parallel_loop3A_185 = arith.extui %parallel_loop3A_184 : i1 to i32
        %parallel_loop3A_186 = arith.subi %parallel_loop3A_182, %parallel_loop3A_185 : i32
        %parallel_loop3A_187 = arith.cmpi ne, %parallel_loop3A_179, %parallel_loop3A_186 : i32
        %parallel_loop3A_188 = arith.remsi %parallel_loop3A_69, %parallel_loop3A_171 : i32
        %parallel_loop3A_189 = arith.constant 0 : i32
        %parallel_loop3A_190 = arith.cmpi ne, %parallel_loop3A_188, %parallel_loop3A_189 : i32
        %parallel_loop3A_191 = arith.andi %parallel_loop3A_187, %parallel_loop3A_190 : i1
        %parallel_loop3A_192 = arith.constant 1 : i32
        %parallel_loop3A_193 = arith.subi %parallel_loop3A_172, %parallel_loop3A_192 : i32
        %parallel_loop3A_194 = arith.select %parallel_loop3A_191, %parallel_loop3A_193, %parallel_loop3A_172 : i32
        %parallel_loop3A_195 = arith.constant 16 : i32
        %parallel_loop3A_196 = arith.muli %parallel_loop3A_194, %parallel_loop3A_195 : i32
        %parallel_loop3A_197 = arith.index_cast %parallel_loop3A_196 : i32 to index
        %parallel_loop3A_198 = tpu.vector_load %arg10[%parallel_loop3A_197] {strides = array<i32>} : memref<80xf32, #tpu.memory_space<vmem>>, vector<16xf32>,
        tpu.vector_store %arg10[%parallel_loop3A_197], %parallel_loop3A_164 {strides = array<i32>} : memref<80xf32, #tpu.memory_space<vmem>>, vector<16xf32>,
      } else {
      }
      %parallel_loop3A_170 = arith.select %parallel_loop3A_166, %broadcast_in_dim3A_42, %parallel_loop3A_164 : vector<16xf32>
      scf.yield %parallel_loop3A_170 : vector<16xf32>
    } {sc.loop_unroll_factor = 1 : i64, sc.parallel_access}
    %add3A_49 = arith.constant 0 : i32
    %add3A_50 = arith.addi %multiple_of3A, %add3A_49 : i32
    %dma_start3A_51 = tpu.memref_slice %arg5[%add3A_50] : memref<5120xf32, #tpu.memory_space<hbm>> -> memref<80xf32, #tpu.memory_space<hbm>>
    %dma_start3A_52 = tpu.memref_slice %arg5[%add3A_50] : memref<5120xf32, #tpu.memory_space<hbm>> -> memref<80xf32, #tpu.memory_space<hbm>>
    tpu.enqueue_dma source(%arg10 : memref<80xf32, #tpu.memory_space<vmem>>) target(%dma_start3A_52 : memref<80xf32, #tpu.memory_space<hbm>>) target_semaphore(%arg14 : memref<!tpu.dma_semaphore, #tpu.memory_space<semaphore_mem>>)
    %dma_wait3A_53 = arith.constant 0 : i32
    %dma_wait3A_54 = tpu.memref_slice %arg2[%add3A_11, %dma_wait3A_53] : memref<16384x128xf32, #tpu.memory_space<hbm>> -> memref<80x128xf32, #tpu.memory_space<hbm>>
    %dma_wait3A_55 = arith.constant 0 : i32
    %dma_wait3A_56 = tpu.memref_slice %arg2[%add3A_11, %dma_wait3A_55] : memref<16384x128xf32, #tpu.memory_space<hbm>> -> memref<80x128xf32, #tpu.memory_space<hbm>>
    tpu.wait_dma2 semaphore(%arg13 : memref<!tpu.dma_semaphore, #tpu.memory_space<semaphore_mem>>) src(%dma_wait3A_56 : memref<80x128xf32, #tpu.memory_space<hbm>>) dst(%arg9 : memref<80x128xf32, #tpu.memory_space<vmem>>)
    %parallel_loop3A_57 = arith.constant 0 : i32
    %parallel_loop3A_58 = arith.constant 80 : i32
    %parallel_loop3A_59 = arith.constant 1 : i32
    %parallel_loop3A_60 = scf.for %parallel_loop3A_69 = %parallel_loop3A_57 to %parallel_loop3A_58 step %parallel_loop3A_59 iter_args(%parallel_loop3A_70 = %broadcast_in_dim3A_42) -> (vector<16xf32>)  : i32 {
      %parallel_loop3A_71 = arith.constant 80 : i32
      %parallel_loop3A_72 = arith.addi %parallel_loop3A_71, %parallel_loop3A_69 : i32
      %parallel_loop3A_73 = vector.broadcast %parallel_loop3A_72 : i32 to vector<16xi32>
      %parallel_loop3A_74 = tpu.vector_load_idx %arg6[%parallel_loop3A_73] : memref<160xi32, #tpu.memory_space<vmem>>[vector<16xi32>], vector<16xi32>,
      %parallel_loop3A_75 = arith.constant 0.000000e+00 : f32
      %parallel_loop3A_76 = vector.broadcast %parallel_loop3A_75 : f32 to vector<16xf32>
      %parallel_loop3A_77 = tpu.vector_load_idx %arg7[%parallel_loop3A_74, %add3A_18] : memref<100x128xf32, #tpu.memory_space<vmem>>[vector<16xi32>, vector<16xi32>], vector<16xf32>,
      %parallel_loop3A_78 = arith.index_cast %parallel_loop3A_69 : i32 to index
      %parallel_loop3A_79 = arith.constant 0 : index
      %parallel_loop3A_80 = tpu.vector_load %arg9[%parallel_loop3A_78, %parallel_loop3A_79] {strides = array<i32>} : memref<80x128xf32, #tpu.memory_space<vmem>>, vector<16xf32>,
      %parallel_loop3A_81 = arith.subf %parallel_loop3A_80, %parallel_loop3A_77 : vector<16xf32>
      %parallel_loop3A_82 = arith.mulf %parallel_loop3A_81, %parallel_loop3A_81 : vector<16xf32>
      %parallel_loop3A_83 = arith.addf %parallel_loop3A_76, %parallel_loop3A_82 : vector<16xf32>
      %parallel_loop3A_84 = tpu.vector_load_idx %arg7[%parallel_loop3A_74, %add3A_21] : memref<100x128xf32, #tpu.memory_space<vmem>>[vector<16xi32>, vector<16xi32>], vector<16xf32>,
      %parallel_loop3A_85 = arith.index_cast %parallel_loop3A_69 : i32 to index
      %parallel_loop3A_86 = arith.constant 16 : index
      %parallel_loop3A_87 = tpu.vector_load %arg9[%parallel_loop3A_85, %parallel_loop3A_86] {strides = array<i32>} : memref<80x128xf32, #tpu.memory_space<vmem>>, vector<16xf32>,
      %parallel_loop3A_88 = arith.subf %parallel_loop3A_87, %parallel_loop3A_84 : vector<16xf32>
      %parallel_loop3A_89 = arith.mulf %parallel_loop3A_88, %parallel_loop3A_88 : vector<16xf32>
      %parallel_loop3A_90 = arith.addf %parallel_loop3A_83, %parallel_loop3A_89 : vector<16xf32>
      %parallel_loop3A_91 = tpu.vector_load_idx %arg7[%parallel_loop3A_74, %add3A_24] : memref<100x128xf32, #tpu.memory_space<vmem>>[vector<16xi32>, vector<16xi32>], vector<16xf32>,
      %parallel_loop3A_92 = arith.index_cast %parallel_loop3A_69 : i32 to index
      %parallel_loop3A_93 = arith.constant 32 : index
      %parallel_loop3A_94 = tpu.vector_load %arg9[%parallel_loop3A_92, %parallel_loop3A_93] {strides = array<i32>} : memref<80x128xf32, #tpu.memory_space<vmem>>, vector<16xf32>,
      %parallel_loop3A_95 = arith.subf %parallel_loop3A_94, %parallel_loop3A_91 : vector<16xf32>
      %parallel_loop3A_96 = arith.mulf %parallel_loop3A_95, %parallel_loop3A_95 : vector<16xf32>
      %parallel_loop3A_97 = arith.addf %parallel_loop3A_90, %parallel_loop3A_96 : vector<16xf32>
      %parallel_loop3A_98 = tpu.vector_load_idx %arg7[%parallel_loop3A_74, %add3A_27] : memref<100x128xf32, #tpu.memory_space<vmem>>[vector<16xi32>, vector<16xi32>], vector<16xf32>,
      %parallel_loop3A_99 = arith.index_cast %parallel_loop3A_69 : i32 to index
      %parallel_loop3A_100 = arith.constant 48 : index
      %parallel_loop3A_101 = tpu.vector_load %arg9[%parallel_loop3A_99, %parallel_loop3A_100] {strides = array<i32>} : memref<80x128xf32, #tpu.memory_space<vmem>>, vector<16xf32>,
      %parallel_loop3A_102 = arith.subf %parallel_loop3A_101, %parallel_loop3A_98 : vector<16xf32>
      %parallel_loop3A_103 = arith.mulf %parallel_loop3A_102, %parallel_loop3A_102 : vector<16xf32>
      %parallel_loop3A_104 = arith.addf %parallel_loop3A_97, %parallel_loop3A_103 : vector<16xf32>
      %parallel_loop3A_105 = tpu.vector_load_idx %arg7[%parallel_loop3A_74, %add3A_30] : memref<100x128xf32, #tpu.memory_space<vmem>>[vector<16xi32>, vector<16xi32>], vector<16xf32>,
      %parallel_loop3A_106 = arith.index_cast %parallel_loop3A_69 : i32 to index
      %parallel_loop3A_107 = arith.constant 64 : index
      %parallel_loop3A_108 = tpu.vector_load %arg9[%parallel_loop3A_106, %parallel_loop3A_107] {strides = array<i32>} : memref<80x128xf32, #tpu.memory_space<vmem>>, vector<16xf32>,
      %parallel_loop3A_109 = arith.subf %parallel_loop3A_108, %parallel_loop3A_105 : vector<16xf32>
      %parallel_loop3A_110 = arith.mulf %parallel_loop3A_109, %parallel_loop3A_109 : vector<16xf32>
      %parallel_loop3A_111 = arith.addf %parallel_loop3A_104, %parallel_loop3A_110 : vector<16xf32>
      %parallel_loop3A_112 = tpu.vector_load_idx %arg7[%parallel_loop3A_74, %add3A_33] : memref<100x128xf32, #tpu.memory_space<vmem>>[vector<16xi32>, vector<16xi32>], vector<16xf32>,
      %parallel_loop3A_113 = arith.index_cast %parallel_loop3A_69 : i32 to index
      %parallel_loop3A_114 = arith.constant 80 : index
      %parallel_loop3A_115 = tpu.vector_load %arg9[%parallel_loop3A_113, %parallel_loop3A_114] {strides = array<i32>} : memref<80x128xf32, #tpu.memory_space<vmem>>, vector<16xf32>,
      %parallel_loop3A_116 = arith.subf %parallel_loop3A_115, %parallel_loop3A_112 : vector<16xf32>
      %parallel_loop3A_117 = arith.mulf %parallel_loop3A_116, %parallel_loop3A_116 : vector<16xf32>
      %parallel_loop3A_118 = arith.addf %parallel_loop3A_111, %parallel_loop3A_117 : vector<16xf32>
      %parallel_loop3A_119 = tpu.vector_load_idx %arg7[%parallel_loop3A_74, %add3A_36] : memref<100x128xf32, #tpu.memory_space<vmem>>[vector<16xi32>, vector<16xi32>], vector<16xf32>,
      %parallel_loop3A_120 = arith.index_cast %parallel_loop3A_69 : i32 to index
      %parallel_loop3A_121 = arith.constant 96 : index
      %parallel_loop3A_122 = tpu.vector_load %arg9[%parallel_loop3A_120, %parallel_loop3A_121] {strides = array<i32>} : memref<80x128xf32, #tpu.memory_space<vmem>>, vector<16xf32>,
      %parallel_loop3A_123 = arith.subf %parallel_loop3A_122, %parallel_loop3A_119 : vector<16xf32>
      %parallel_loop3A_124 = arith.mulf %parallel_loop3A_123, %parallel_loop3A_123 : vector<16xf32>
      %parallel_loop3A_125 = arith.addf %parallel_loop3A_118, %parallel_loop3A_124 : vector<16xf32>
      %parallel_loop3A_126 = tpu.vector_load_idx %arg7[%parallel_loop3A_74, %add3A_39] : memref<100x128xf32, #tpu.memory_space<vmem>>[vector<16xi32>, vector<16xi32>], vector<16xf32>,
      %parallel_loop3A_127 = arith.index_cast %parallel_loop3A_69 : i32 to index
      %parallel_loop3A_128 = arith.constant 112 : index
      %parallel_loop3A_129 = tpu.vector_load %arg9[%parallel_loop3A_127, %parallel_loop3A_128] {strides = array<i32>} : memref<80x128xf32, #tpu.memory_space<vmem>>, vector<16xf32>,
      %parallel_loop3A_130 = arith.subf %parallel_loop3A_129, %parallel_loop3A_126 : vector<16xf32>
      %parallel_loop3A_131 = arith.mulf %parallel_loop3A_130, %parallel_loop3A_130 : vector<16xf32>
      %parallel_loop3A_132 = arith.addf %parallel_loop3A_125, %parallel_loop3A_131 : vector<16xf32>
      %parallel_loop3A_133 = arith.constant true
      %parallel_loop3A_134 = vector.broadcast %parallel_loop3A_133 : i1 to vector<16xi1>
      %parallel_loop3A_135 = tpu.scan <sum>, %parallel_loop3A_132 masked %parallel_loop3A_134 : vector<16xf32>, vector<16xi1> -> vector<16xf32>
      %parallel_loop3A_136 = arith.constant 0 : i32
      %parallel_loop3A_137 = vector.broadcast %parallel_loop3A_136 : i32 to vector<16xi32>
      %parallel_loop3A_138 = arith.cmpi slt, %broadcast_in_dim3A_40, %parallel_loop3A_137 : vector<16xi32>
      %parallel_loop3A_139 = arith.constant 16 : i32
      %parallel_loop3A_140 = vector.broadcast %parallel_loop3A_139 : i32 to vector<16xi32>
      %parallel_loop3A_141 = arith.addi %broadcast_in_dim3A_40, %parallel_loop3A_140 : vector<16xi32>
      %parallel_loop3A_142 = arith.select %parallel_loop3A_138, %parallel_loop3A_141, %broadcast_in_dim3A_40 : vector<16xi1>, vector<16xi32>
      %parallel_loop3A_143 = vector.shape_cast %parallel_loop3A_142 : vector<16xi32> to vector<16x1xi32>
      %parallel_loop3A_144 = vector.shape_cast %parallel_loop3A_143 : vector<16x1xi32> to vector<16xi32>
      %parallel_loop3A_145 = tpu.dynamic_gather %parallel_loop3A_135[%parallel_loop3A_144] in [0] : vector<16xf32>, vector<16xi32> -> vector<16xf32>
      %parallel_loop3A_146 = arith.constant 16 : i32
      %parallel_loop3A_147 = arith.constant 0 : i32
      %parallel_loop3A_148 = arith.cmpi eq, %parallel_loop3A_146, %parallel_loop3A_147 : i32
      %parallel_loop3A_149 = arith.constant 1 : i32
      %parallel_loop3A_150 = arith.select %parallel_loop3A_148, %parallel_loop3A_149, %parallel_loop3A_146 : i32
      %parallel_loop3A_151 = arith.remsi %parallel_loop3A_69, %parallel_loop3A_150 : i32
      %parallel_loop3A_152 = arith.constant 0 : i32
      %parallel_loop3A_153 = arith.cmpi ne, %parallel_loop3A_151, %parallel_loop3A_152 : i32
      %parallel_loop3A_154 = arith.constant 0 : i32
      %parallel_loop3A_155 = arith.cmpi slt, %parallel_loop3A_151, %parallel_loop3A_154 : i32
      %parallel_loop3A_156 = arith.constant 0 : i32
      %parallel_loop3A_157 = arith.cmpi slt, %parallel_loop3A_150, %parallel_loop3A_156 : i32
      %parallel_loop3A_158 = arith.xori %parallel_loop3A_155, %parallel_loop3A_157 : i1
      %parallel_loop3A_159 = arith.andi %parallel_loop3A_158, %parallel_loop3A_153 : i1
      %parallel_loop3A_160 = arith.addi %parallel_loop3A_151, %parallel_loop3A_150 : i32
      %parallel_loop3A_161 = arith.select %parallel_loop3A_159, %parallel_loop3A_160, %parallel_loop3A_151 : i32
      %parallel_loop3A_162 = vector.broadcast %parallel_loop3A_161 : i32 to vector<16xi32>
      %parallel_loop3A_163 = arith.cmpi eq, %iota3A, %parallel_loop3A_162 : vector<16xi32>
      %parallel_loop3A_164 = arith.select %parallel_loop3A_163, %parallel_loop3A_145, %parallel_loop3A_70 : vector<16xi1>, vector<16xf32>
      %parallel_loop3A_165 = arith.constant 15 : i32
      %parallel_loop3A_166 = arith.cmpi eq, %parallel_loop3A_161, %parallel_loop3A_165 : i32
      %parallel_loop3A_167 = arith.extui %parallel_loop3A_166 : i1 to i32
      %parallel_loop3A_168 = arith.constant 0 : i32
      %parallel_loop3A_169 = arith.cmpi ne, %parallel_loop3A_167, %parallel_loop3A_168 : i32
      scf.if %parallel_loop3A_169 {
        %parallel_loop3A_171 = arith.constant 16 : i32
        %parallel_loop3A_172 = arith.divsi %parallel_loop3A_69, %parallel_loop3A_171 : i32
        %parallel_loop3A_173 = arith.constant 0 : i32
        %parallel_loop3A_174 = arith.cmpi sgt, %parallel_loop3A_69, %parallel_loop3A_173 : i32
        %parallel_loop3A_175 = arith.extui %parallel_loop3A_174 : i1 to i32
        %parallel_loop3A_176 = arith.constant 0 : i32
        %parallel_loop3A_177 = arith.cmpi slt, %parallel_loop3A_69, %parallel_loop3A_176 : i32
        %parallel_loop3A_178 = arith.extui %parallel_loop3A_177 : i1 to i32
        %parallel_loop3A_179 = arith.subi %parallel_loop3A_175, %parallel_loop3A_178 : i32
        %parallel_loop3A_180 = arith.constant 0 : i32
        %parallel_loop3A_181 = arith.cmpi sgt, %parallel_loop3A_171, %parallel_loop3A_180 : i32
        %parallel_loop3A_182 = arith.extui %parallel_loop3A_181 : i1 to i32
        %parallel_loop3A_183 = arith.constant 0 : i32
        %parallel_loop3A_184 = arith.cmpi slt, %parallel_loop3A_171, %parallel_loop3A_183 : i32
        %parallel_loop3A_185 = arith.extui %parallel_loop3A_184 : i1 to i32
        %parallel_loop3A_186 = arith.subi %parallel_loop3A_182, %parallel_loop3A_185 : i32
        %parallel_loop3A_187 = arith.cmpi ne, %parallel_loop3A_179, %parallel_loop3A_186 : i32
        %parallel_loop3A_188 = arith.remsi %parallel_loop3A_69, %parallel_loop3A_171 : i32
        %parallel_loop3A_189 = arith.constant 0 : i32
        %parallel_loop3A_190 = arith.cmpi ne, %parallel_loop3A_188, %parallel_loop3A_189 : i32
        %parallel_loop3A_191 = arith.andi %parallel_loop3A_187, %parallel_loop3A_190 : i1
        %parallel_loop3A_192 = arith.constant 1 : i32
        %parallel_loop3A_193 = arith.subi %parallel_loop3A_172, %parallel_loop3A_192 : i32
        %parallel_loop3A_194 = arith.select %parallel_loop3A_191, %parallel_loop3A_193, %parallel_loop3A_172 : i32
        %parallel_loop3A_195 = arith.constant 16 : i32
        %parallel_loop3A_196 = arith.muli %parallel_loop3A_194, %parallel_loop3A_195 : i32
        %parallel_loop3A_197 = arith.index_cast %parallel_loop3A_196 : i32 to index
        %parallel_loop3A_198 = tpu.vector_load %arg11[%parallel_loop3A_197] {strides = array<i32>} : memref<80xf32, #tpu.memory_space<vmem>>, vector<16xf32>,
        tpu.vector_store %arg11[%parallel_loop3A_197], %parallel_loop3A_164 {strides = array<i32>} : memref<80xf32, #tpu.memory_space<vmem>>, vector<16xf32>,
      } else {
      }
      %parallel_loop3A_170 = arith.select %parallel_loop3A_166, %broadcast_in_dim3A_42, %parallel_loop3A_164 : vector<16xf32>
      scf.yield %parallel_loop3A_170 : vector<16xf32>
    } {sc.loop_unroll_factor = 1 : i64, sc.parallel_access}
    %add3A_61 = arith.constant 80 : i32
    %add3A_62 = arith.addi %multiple_of3A, %add3A_61 : i32
    %dma_start3A_63 = tpu.memref_slice %arg5[%add3A_62] : memref<5120xf32, #tpu.memory_space<hbm>> -> memref<80xf32, #tpu.memory_space<hbm>>
    %dma_start3A_64 = tpu.memref_slice %arg5[%add3A_62] : memref<5120xf32, #tpu.memory_space<hbm>> -> memref<80xf32, #tpu.memory_space<hbm>>
    tpu.enqueue_dma source(%arg11 : memref<80xf32, #tpu.memory_space<vmem>>) target(%dma_start3A_64 : memref<80xf32, #tpu.memory_space<hbm>>) target_semaphore(%arg15 : memref<!tpu.dma_semaphore, #tpu.memory_space<semaphore_mem>>)
    %dma_wait3A_65 = tpu.memref_slice %arg5[%add3A_50] : memref<5120xf32, #tpu.memory_space<hbm>> -> memref<80xf32, #tpu.memory_space<hbm>>
    %dma_wait3A_66 = tpu.memref_slice %arg5[%add3A_50] : memref<5120xf32, #tpu.memory_space<hbm>> -> memref<80xf32, #tpu.memory_space<hbm>>
    tpu.wait_dma2 semaphore(%arg14 : memref<!tpu.dma_semaphore, #tpu.memory_space<semaphore_mem>>) src(%arg10 : memref<80xf32, #tpu.memory_space<vmem>>) dst(%dma_wait3A_66 : memref<80xf32, #tpu.memory_space<hbm>>)
    %dma_wait3A_67 = tpu.memref_slice %arg5[%add3A_62] : memref<5120xf32, #tpu.memory_space<hbm>> -> memref<80xf32, #tpu.memory_space<hbm>>
    %dma_wait3A_68 = tpu.memref_slice %arg5[%add3A_62] : memref<5120xf32, #tpu.memory_space<hbm>> -> memref<80xf32, #tpu.memory_space<hbm>>
    tpu.wait_dma2 semaphore(%arg15 : memref<!tpu.dma_semaphore, #tpu.memory_space<semaphore_mem>>) src(%arg11 : memref<80xf32, #tpu.memory_space<vmem>>) dst(%dma_wait3A_68 : memref<80xf32, #tpu.memory_space<hbm>>)
    return
  }
}

module attributes {stable_mosaic.version = 14 : i64} {
  func.func @body(%arg0: memref<5120xf32, #tpu.memory_space<vmem>>, %arg1: memref<1x1xf32, #tpu.memory_space<smem>>, %arg2: memref<1x1xf32, #tpu.memory_space<smem>>) attributes {dimension_semantics = [], scalar_prefetch = 0 : i64, scratch_operands = 0 : i64, tpu.core_type = #tpu.core_type<tc>} {
    %get3A = arith.constant 0 : index
    %get3A_0 = vector.load %arg0[%get3A] : memref<5120xf32, #tpu.memory_space<vmem>>, vector<5120xf32>
    %sqrt3A = math.sqrt %get3A_0 : vector<5120xf32>
    %reduce_sum3A = vector.shape_cast %sqrt3A : vector<5120xf32> to vector<1x5120xf32>
    %reduce_sum3A_1 = arith.constant dense<0.000000e+00> : vector<1xf32>
    %reduce_sum3A_2 = vector.multi_reduction <add>, %reduce_sum3A, %reduce_sum3A_1 [1] : vector<1x5120xf32> to vector<1xf32>
    %reduce_sum3A_3 = vector.shape_cast %reduce_sum3A_2 : vector<1xf32> to vector<1x1xf32>
    %reduce_sum3A_4 = vector.extract %reduce_sum3A_3[0, 0] : f32 from vector<1x1xf32>
    %get3A_5 = arith.constant 0 : index
    %get3A_6 = arith.constant 0 : index
    %get3A_7 = memref.load %arg1[%get3A_5, %get3A_6] : memref<1x1xf32, #tpu.memory_space<smem>>
    %add3A = arith.addf %reduce_sum3A_4, %get3A_7 : f32
    %div3A = arith.constant 1.638400e+04 : f32
    %div3A_8 = arith.divf %add3A, %div3A : f32
    %swap3A = arith.constant 0 : index
    %swap3A_9 = arith.constant 0 : index
    %swap3A_10 = memref.load %arg2[%swap3A, %swap3A_9] : memref<1x1xf32, #tpu.memory_space<smem>>
    memref.store %div3A_8, %arg2[%swap3A, %swap3A_9] : memref<1x1xf32, #tpu.memory_space<smem>>
    return
  }
}

module attributes {stable_mosaic.version = 14 : i64} {
  func.func @body(%arg0: i32, %arg1: memref<11264x128xf32, #tpu.memory_space<vmem>>, %arg2: memref<11264xi32, #tpu.memory_space<vmem>>, %arg3: memref<100x128xf32, #tpu.memory_space<vmem>>, %arg4: memref<1x1xf32, #tpu.memory_space<smem>>) attributes {dimension_semantics = [#tpu.dimension_semantics<arbitrary>], iteration_bounds = array<i64: 1>, scalar_prefetch = 0 : i64, scratch_operands = 0 : i64, tpu.core_type = #tpu.core_type<tc>, window_params = [{transform_indices = @transform_0, window_bounds = array<i64: 11264, 128>}, {transform_indices = @transform_1, window_bounds = array<i64: 11264>}, {pipeline_mode = #tpu.pipeline_mode<synchronous>, transform_indices = @transform_2, window_bounds = array<i64: 100, 128>}, {transform_indices = @transform_3, window_bounds = array<i64: 1, 1>}]} {
    %get3A = arith.constant 0 : index
    %get3A_0 = vector.load %arg2[%get3A] : memref<11264xi32, #tpu.memory_space<vmem>>, vector<11264xi32>
    %broadcast_in_dim3A = vector.shape_cast %get3A_0 : vector<11264xi32> to vector<11264x1xi32>
    %iota3A = tpu.iota {dimensions = array<i32: 1>} : vector<11264x100xi32>
    %eq3A = vector.broadcast %broadcast_in_dim3A : vector<11264x1xi32> to vector<11264x100xi32>
    %eq3A_1 = arith.cmpi eq, %eq3A, %iota3A : vector<11264x100xi32>
    %convert_element_type3A = arith.extui %eq3A_1 : vector<11264x100xi1> to vector<11264x100xi32>
    %convert_element_type3A_2 = arith.sitofp %convert_element_type3A : vector<11264x100xi32> to vector<11264x100xf32>
    %get3A_3 = arith.constant 0 : index
    %get3A_4 = arith.constant 0 : index
    %get3A_5 = vector.load %arg3[%get3A_3, %get3A_4] : memref<100x128xf32, #tpu.memory_space<vmem>>, vector<100x128xf32>
    %dot_general3A = arith.constant dense<0.000000e+00> : vector<11264x128xf32>
    %dot_general3A_6 = tpu.matmul %convert_element_type3A_2, %get3A_5, %dot_general3A {dimension_numbers = #tpu.dot_dimension_numbers<[1], [0], [0], [1], [0, 0, 1, 1], [], []>, transpose_lhs_hint = false} : vector<11264x100xf32>, vector<100x128xf32>, vector<11264x128xf32> -> vector<11264x128xf32>
    %get3A_7 = arith.constant 0 : index
    %get3A_8 = arith.constant 0 : index
    %get3A_9 = vector.load %arg1[%get3A_7, %get3A_8] : memref<11264x128xf32, #tpu.memory_space<vmem>>, vector<11264x128xf32>
    %sub3A = arith.subf %get3A_9, %dot_general3A_6 : vector<11264x128xf32>
    %mul3A = arith.mulf %sub3A, %sub3A : vector<11264x128xf32>
    %reduce_sum3A = arith.constant dense<0.000000e+00> : vector<11264xf32>
    %reduce_sum3A_10 = vector.multi_reduction <add>, %mul3A, %reduce_sum3A [1] : vector<11264x128xf32> to vector<11264xf32>
    %sqrt3A = math.sqrt %reduce_sum3A_10 : vector<11264xf32>
    %reduce_sum3A_11 = vector.shape_cast %sqrt3A : vector<11264xf32> to vector<1x11264xf32>
    %reduce_sum3A_12 = arith.constant dense<0.000000e+00> : vector<1xf32>
    %reduce_sum3A_13 = vector.multi_reduction <add>, %reduce_sum3A_11, %reduce_sum3A_12 [1] : vector<1x11264xf32> to vector<1xf32>
    %reduce_sum3A_14 = vector.shape_cast %reduce_sum3A_13 : vector<1xf32> to vector<1x1xf32>
    %reduce_sum3A_15 = vector.extract %reduce_sum3A_14[0, 0] : f32 from vector<1x1xf32>
    %swap3A = arith.constant 0 : index
    %swap3A_16 = arith.constant 0 : index
    %swap3A_17 = memref.load %arg4[%swap3A, %swap3A_16] : memref<1x1xf32, #tpu.memory_space<smem>>
    memref.store %reduce_sum3A_15, %arg4[%swap3A, %swap3A_16] : memref<1x1xf32, #tpu.memory_space<smem>>
    return
  }
  func.func @transform_0(%arg0: i32) -> (i32, i32) {
    %c0_i32 = arith.constant 0 : i32
    %c0_i32_0 = arith.constant 0 : i32
    %c0_i32_1 = arith.constant 0 : i32
    return %c0_i32, %c0_i32_0 : i32, i32
  }
  func.func @transform_1(%arg0: i32) -> i32 {
    %c0_i32 = arith.constant 0 : i32
    %c0_i32_0 = arith.constant 0 : i32
    return %c0_i32 : i32
  }
  func.func @transform_2(%arg0: i32) -> (i32, i32) {
    %c0_i32 = arith.constant 0 : i32
    %c0_i32_0 = arith.constant 0 : i32
    %c0_i32_1 = arith.constant 0 : i32
    return %c0_i32, %c0_i32_0 : i32, i32
  }
  func.func @transform_3(%arg0: i32) -> (i32, i32) {
    %c0_i32 = arith.constant 0 : i32
    %c0_i32_0 = arith.constant 0 : i32
    %c0_i32_1 = arith.constant 0 : i32
    return %c0_i32, %c0_i32_0 : i32, i32
  }
}

</mosaic_0001>

<sc_bundles>
// kernel: kernel.5.cloned.1.call-start
scs
__scs_entry_jumppad:
0x0: {  	(pc) =	sbr.rel $0x88, $3  }
0x1: {  	(tag) =	ssettag $0x0;
	lr =	simm.s32 $0x1  }
0x2: {  	[smem:$0x3F9E] =	sst lr;
	_ =	strace $0xD0000000  }
0x3: {  	_ = 	snop  }
0x4: {  	_ = 	snop  }
0x5: {  	_ = 	snop  }
0x6: {  	_ = 	snop  }
0x7: {  	_ = 	snop  }
__scs_overlays_trampoline_lowered:
0x8: {  	[smem:$0x3FAD] =	sst s0  }
0x9: {  	[smem:$0x3FAE] =	sst s1  }
0xa: {  	[smem:$0x3FAF] =	sst s2  }
0xb: {  	[smem:$0x3FB0] =	sst s3  }
0xc: {  	[smem:$0x3FB1] =	sst s4  }
0xd: {  	[smem:$0x3FB2] =	sst s5  }
0xe: {  	[smem:$0x3FB3] =	sst s6  }
0xf: {  	[smem:$0x3FB4] =	sst s7  }
0x10: {  	[smem:$0x3FB5] =	sst s8  }
0x11: {  	[smem:$0x3FB6] =	sst s9;
	s0 =	simm.s32 @!p0 $0x0  }
0x12: {  	s1 =	sld [smem:$0x3F9C];
	s0 =	simm.s32 @p0 $0x1  }
0x13: {  	[smem:$0x3FB7] =	sst s0;
	s0 =	simm.s32 @!p1 $0x0  }
0x14: {  	s2 =	sld [smem:$0x3F9B];
	s0 =	simm.s32 @p1 $0x1  }
0x15: {  	[smem:$0x3FB8] =	sst s0;
	s0 =	simm.s32 @!p2 $0x0  }
0x16: {  	s3 =	sld [smem:$0x3FDB];
	s0 =	simm.s32 @p2 $0x1  }
0x17: {  	s4 =	simm.s32 $0x1BF5;
	[smem:$0x3FBA] =	sst s0  }
0x18: {  	s0 =	sld [smem:$0x3F9D];
	_ =	swait.ge [sflag:s4], $0x0  }
0x19: {  	s7 =	sld [smem:$0x3F9E]  }
0x1a: {  	s8 =	sadd.s32 $0xFFFFE003, lr  }
0x1b: {  	s9 =	sadd.s32 $0xFFFFFEF7, lr;
	s5 =	simm.s32 $0xFFFFFFFF;
	p2 =	slt.u32 s8, $0xFFFFF086  }
0x1c: {  	p1 =	slt.u32 s9, $0xF7A;
	s5 =	simm.s32 @!p2 $0x0  }
0x1d: {  	s5 =	simm.s32 @p1 $0x1;
	p0 =	seq.s32 s7, s2  }
0x1e: {  	s7 =	smul.u32 @!p0 $0xF7A, s2;
	p2 =	seq.s32 @!p0 s5, $0x0  }
0x1f: {  	s9 =	smul.u32 $0xF7A, s1;
	s8 =	simm.s32 @!p0 $0x1BF5;
	p2 =	por !p2, p0  }
0x20: {  	[sflag:s8] =	ssyncset.s32 @!p0 $0xFFFFF086;
	s6 =	sadd.s32 @!p0 s3, s7;
	s7 =	simm.s32 @!p0 $0x108  }
0x21: {  	s3 =	sadd.s32 s3, s9;
	s6 =	sadd.s32 @!p0 $0x88, s6;
	s7 =	simm.s32 @p2 $0x1082  }
0x22: {  	[simem:s7], [sflag:s8] =	dma.local @!p0 [hbm:s6], $0xF7A  }
0x23: {  	s9 =	sor.u32 $0xD0000000, s2;
	s6 =	simm.s32 $0x108;
	_ =	swait.ge @!p0 [sflag:s8], $0x0  }
0x24: {  	s3 =	sadd.s32 $0x88, s3;
	s6 =	simm.s32 @!p1 $0x1082;
	[sflag:s4] =	ssyncset.s32 $0xFFFFF086  }
0x25: {  	[simem:s6], [sflag:s4] =	dma.local [hbm:s3], $0xF7A  }
0x26: {  	[smem:$0x3F9E] =	sst s1;
	(tag) =	ssettag s2;
	_ =	strace s9  }
0x27: {  	s1 =	sld [smem:$0x3FAE]  }
0x28: {  	s2 =	sld [smem:$0x3FAF]  }
0x29: {  	s4 =	sld [smem:$0x3FB1]  }
0x2a: {  	p0 =	seq.s32 s5, $0x0;
	s5 =	sld [smem:$0x3FB2]  }
0x2b: {  	s6 =	sld [smem:$0x3FB3]  }
0x2c: {  	s7 =	sld [smem:$0x3FB4]  }
0x2d: {  	s3 =	simm.s32 $0x108;
	s8 =	sld [smem:$0x3FB5]  }
0x2e: {  	s3 =	simm.s32 @!p0 $0x1082;
	s9 =	sld [smem:$0x3FB6]  }
0x2f: {  	lr =	sadd.s32 s0, s3;
	s0 =	sld [smem:$0x3FAD]  }
0x30: {  	s3 =	sld [smem:$0x3FB0]  }
0x31: {  	[smem:$0x3FB9] =	sst s10  }
0x32: {  	s10 =	sld [smem:$0x3FB7];
	_ =	sdelay $0x3  }
0x33: {  	p0 =	seq.s32 s10, $0x1;
	s10 =	sld [smem:$0x3FB9];
	_ =	sdelay $0x3  }
0x34: {  	[smem:$0x3FB9] =	sst s10  }
0x35: {  	s10 =	sld [smem:$0x3FB8];
	_ =	sdelay $0x3  }
0x36: {  	p1 =	seq.s32 s10, $0x1;
	s10 =	sld [smem:$0x3FB9];
	_ =	sdelay $0x3  }
0x37: {  	[smem:$0x3FB9] =	sst s10  }
0x38: {  	s10 =	sld [smem:$0x3FBA]  }
0x39: {  	_ = 	snop;
	(pc) =	sbr.ind lr, $3  }
0x3a: {  	_ = 	snop  }
0x3b: {  	_ = 	snop  }
0x3c: {  	p2 =	seq.s32 s10, $0x1;
	s10 =	sld [smem:$0x3FB9]  }
0x3d: {  	_ =	shalt  }
0x3e: {  	_ =	shalt  }
0x3f: {  	_ =	shalt  }
0x40: {  	_ =	shalt  }
0x41: {  	_ =	shalt  }
0x42: {  	_ =	shalt  }
0x43: {  	_ =	shalt  }
0x44: {  	_ =	shalt  }
0x45: {  	_ =	shalt  }
0x46: {  	_ =	shalt  }
0x47: {  	_ =	shalt  }
0x48: {  	_ =	shalt  }
0x49: {  	_ =	shalt  }
0x4a: {  	_ =	shalt  }
0x4b: {  	_ =	shalt  }
0x4c: {  	_ =	shalt  }
0x4d: {  	_ =	shalt  }
0x4e: {  	_ =	shalt  }
0x4f: {  	_ =	shalt  }
0x50: {  	_ =	shalt  }
0x51: {  	_ =	shalt  }
0x52: {  	_ =	shalt  }
0x53: {  	_ =	shalt  }
0x54: {  	_ =	shalt  }
0x55: {  	_ =	shalt  }
0x56: {  	_ =	shalt  }
0x57: {  	_ =	shalt  }
0x58: {  	_ =	shalt  }
0x59: {  	_ =	shalt  }
0x5a: {  	_ =	shalt  }
0x5b: {  	_ =	shalt  }
0x5c: {  	_ =	shalt  }
0x5d: {  	_ =	shalt  }
0x5e: {  	_ =	shalt  }
0x5f: {  	_ =	shalt  }
0x60: {  	_ =	shalt  }
0x61: {  	_ =	shalt  }
0x62: {  	_ =	shalt  }
0x63: {  	_ =	shalt  }
0x64: {  	_ =	shalt  }
0x65: {  	_ =	shalt  }
0x66: {  	_ =	shalt  }
0x67: {  	_ =	shalt  }
0x68: {  	_ =	shalt  }
0x69: {  	_ =	shalt  }
0x6a: {  	_ =	shalt  }
0x6b: {  	_ =	shalt  }
0x6c: {  	_ =	shalt  }
0x6d: {  	_ =	shalt  }
0x6e: {  	_ =	shalt  }
0x6f: {  	_ =	shalt  }
0x70: {  	_ =	shalt  }
0x71: {  	_ =	shalt  }
0x72: {  	_ =	shalt  }
0x73: {  	_ =	shalt  }
0x74: {  	_ =	shalt  }
0x75: {  	_ =	shalt  }
0x76: {  	_ =	shalt  }
0x77: {  	_ =	shalt  }
0x78: {  	_ =	shalt  }
0x79: {  	_ =	shalt  }
0x7a: {  	_ =	shalt  }
0x7b: {  	_ =	shalt  }
0x7c: {  	_ =	shalt  }
0x7d: {  	_ =	shalt  }
0x7e: {  	_ =	shalt  }
0x7f: {  	_ =	shalt  }
0x80: {  	_ =	shalt  }
0x81: {  	_ =	shalt  }
0x82: {  	_ =	shalt  }
0x83: {  	_ =	shalt  }
0x84: {  	_ =	shalt  }
0x85: {  	_ =	shalt  }
0x86: {  	_ =	shalt  }
0x87: {  	_ =	shalt  }
.Lfunc_end0:
.L_simem_size_0:
called_computation_lowered:
.L_overlay_start_0:
0x88: {  	s2 =	sld [smem:$0x3FD9]  }
0x89: {  	s3 =	sld [smem:$0x3FFE];
	_ =	sdelay $0x1  }
0x8a: {  	s1 =	srdreg.scid  }
0x8b: {  	s0 =	sand.u32 $0x1, s1  }
0x8c: {  	s17 =	sshll.u32 s0, $0xA;
	s2 =	sadd.s32 s3, s2  }
0x8d: {  	s2 =	sadd.s32 s2, s17  }
0x8e: {  	[smem:$0x3FC5] =	sst s2  }
0x8f: {  	_ = 	snop  }
0x90: {  	s2 =	sld [smem:$0x3FC9]  }
0x91: {  	s18 =	sld [smem:$0x3FC8]  }
0x92: {  	s4 =	sld [smem:$0x3FC7];
	(tm) =	ssettm $0x1  }
0x93: {  	s5 =	sld [smem:$0x3FFB];
	_ =	sdelay $0x3  }
0x94: {  	_ =	strace s5  }
0x95: {  	s5 =	sld [smem:$0x3FFC];
	_ =	sdelay $0x3  }
0x96: {  	_ =	strace s5  }
0x97: {  	s5 =	sld [smem:$0x3FFD];
	_ =	sdelay $0x3  }
0x98: {  	_ =	strace s5  }
0x99: {  	_ =	strace $0x8FFFFFFF  }
0x9a: {  	s19 =	sld [smem:$0x3FDB];
	_ =	sdelay $0x1  }
0x9b: {  	s6 =	simm.s32 $_scs_section_size  }
0x9c: {  	s7 =	simm.s32 $_size__tile_overlayer_lowered;
	s8 =	simm.s32 $_tile_overlayer_lowered  }
0x9d: {  	s22 =	simm.s32 $0x1BFF;
	s21 =	sshll.u32 s8, $0x1;
	s5 =	sadd.s32 s6, s19  }
0x9e: {  	s9 =	simm.s32 $0x0;
	s20 =	sshll.u32 s7, $0x1;
	s7 =	sadd.s32 s21, s5  }
0x9f: {  	[timem:s9], [sflag:s22] =	dma.local [hbm:s7], s20  }
0xa0: {  	_ =	swait.ge [sflag:s22], s20  }
0xa1: {  	s6 =	ssub.s32 $0x0, s20;
	[sflag:s22] =	ssyncset.done $0x0  }
0xa2: {  	[sflag:s22] =	ssyncadd.s32 s6;
	_ =	sdelay $0x1  }
0xa3: {  	s23 =	simm.s32 $0x1B8B  }
0xa4: {  	_ =	swait.ge [sflag:s23], $0x1  }
0xa5: {  	[sflag:s23] =	ssyncset.done $0x0  }
0xa6: {  	s25 =	simm.s32 $0x1B8E;
	s24 =	sld [smem:$0x3FFE];
	[sflag:s23] =	ssyncadd.s32 $0xFFFFFFFF  }
0xa7: {  	s26 =	simm.s32 $execute0_lowered;
	[smem:$0x3FD2] =	sst s25  }
0xa8: {  	s7 =	sshll.u32 s26, $0x1;
	_ =	strace $0x80000046;
	[dreg:$0x1] =	wrdreg $0xFFFFFFFF  }
0xa9: {  	s28 =	simm.s32 $_size_execute0_lowered;
	s5 =	sadd.s32 s5, s7;
	[dreg:$0x0] =	wrdreg $0x0  }
0xaa: {  	s7 =	sshll.u32 s28, $0x1;
	[dreg:$0x2] =	wrdreg s5  }
0xab: {  	[dreg:$0x3] =	wrdreg s7  }
0xac: {  	[dreg:$0x4] =	wrdreg $0xC0  }
0xad: {  	_ =	task [dreg:s9], $0x5FFFF  }
0xae: {  	[dreg:$0x1] =	wrdreg $0xFFFFFFFF  }
0xaf: {  	[dreg:$0x0] =	wrdreg $0x60  }
0xb0: {  	[dreg:$0x2] =	wrdreg s2  }
0xb1: {  	[dreg:$0x3] =	wrdreg s18  }
0xb2: {  	[dreg:$0x4] =	wrdreg s4  }
0xb3: {  	[dreg:$0x5] =	wrdreg s24  }
0xb4: {  	[dreg:$0x6] =	wrdreg $0x9  }
0xb5: {  	_ =	task.clear_ibuf [dreg:s9], $0x7FFFF;
	_ =	strace $0x90000046  }
0xb6: {  	s29 =	simm.s32 $0x9;
	_ =	strace $0x80000048  }
0xb7: {  	_ =	swait.ge [sflag:s29], $0x1  }
0xb8: {  	[sflag:s29] =	ssyncadd.s32 $0xFFFFFFFF  }
0xb9: {  	_ =	strace $0x90000048  }
0xba: {  	_ =	sfence  }
0xbb: {  	s30 =	sld [smem:$0x0];
	_ =	sdelay $0x2  }
0xbc: {  	s31 =	sshll.u32 s1, $0xD;
	s1 =	sshrl.u32 s1, $0x2  }
0xbd: {  	s3 =	sand.u32 $0x4000, s31;
	s1 =	sadd.s32 s1, s30  }
0xbe: {  	s0 =	sor.u32 s3, s0;
	s1 =	sshll.u32 s1, $0x11  }
0xbf: {  	s0 =	sor.u32 s1, s0  }
0xc0: {  	s0 =	sadd.s32 $0x8F2B, s0  }
0xc1: {  	[sflag:s0] =	ssyncadd.remote.s32 $0x1  }
0xc2: {  	_ =	sfence.sel $0xFFFF  }
0xc3: {  	[dreg:$0x0] =	wrdreg $0xFFFFFFFF;
	(pc) =	sbr.abs _section_cstart, $3  }
0xc4: {  	[dreg:$0x1] =	wrdreg $0xFFFFFFFF  }
0xc5: {  	_ =	task.clear_ibuf [dreg:s9], $0x2FFFF;
	_ =	strace $0x9FFFFFFF  }
0xc6: {  	(tm) =	ssettm $0x7FFFFFFF  }
0xc7: {  	_ =	shalt  }
tec
execute0_lowered:
.L_overlay_start_1:
0x0: {  	(tag) =	ssettag $0x1  }
0x1: {  	s4 =	rddreg [dreg:$0x0]  }
0x2: {  	s6 =	rddreg [dreg:$0x1]  }
0x3: {  	s1 =	srdreg.scid;
	s2 =	rddreg [dreg:$0x2]  }
0x4: {  	s0 =	stileid.u32;
	s8 =	rddreg [dreg:$0x3]  }
0x5: {  	s3 =	simm.s32 $0x0;
	s11 =	simm.s32 $0x5D00;
	s12 =	simm.s32 $0x5  }
0x6: {  	s13 =	simm.s32 $0x100;
	s14 =	simm.s32 $0x1;
	s15 =	simm.s32 $0x8500  }
0x7: {  	s16 =	simm.s32 $0x2;
	s5 =	sand.u32 $0x1, s1;
	s28 =	sshll.u32 s0, $0x1  }
0x8: {  	s17 =	simm.s32 $0x8580;
	s18 =	simm.s32 $0x3;
	s7 =	sor.u32 s5, s28  }
0x9: {  	s19 =	simm.s32 $0x4;
	s20 =	simm.s32 $0x0;
	s9 =	smul.u32 $0xA0, s7  }
0xa: {  	[smem:$0x7FF] =	sst s3;
	s5 =	ssub.s32 $0x2, s5;
	s7 =	smul.u32 $0x5000, s7  }
0xb: {  	s1 =	rddreg [dreg:$0x4];
	_ =	strace $0x80000047;
	s29 =	sshrl.u32 s5, $0x1  }
0xc: {  	s10 =	sshrl.u32 s9, $0x3;
	s9 =	sadd.s32 $0x2C00, s9;
	s7 =	sshrl.u32 s7, $0x3  }
0xd: {  	v0 =	vlaneseq.u32;
	s8 =	sadd.s32 s10, s8;
	s10 =	ssub.s32 s5, s29;
	s30 =	sshll.u32 s9, $0x4  }
0xe: {  	v8 =	vimm.s32 $0xF;
	v1 =	vor.u32 $0x10, v0;
	s7 =	sadd.s32 s4, s7;
	s31 =	sshrl.u32 s9, $0x3;
	s4 =	sadd.s32 s4, s30  }
0xf: {  	v2 =	vor.u32 $0x20, v0;
	v3 =	vor.u32 $0x30, v0;
	v4 =	vor.u32 $0x40, v0;
	s5 =	sadd.s32 $0x2C500, s7;
	s6 =	sadd.s32 s6, s31;
	s7 =	sadd.s32 $0xC00, s8  }
0x10: {  	v5 =	vor.u32 $0x50, v0;
	v6 =	vor.u32 $0x60, v0;
	v7 =	vor.u32 $0x70, v0;
	s8 =	sadd.s32 $0xC0A, s8;
	s9 =	smax.u32 s10, $0x1;
	s10 =	simm.s32 $0x3500  }
.LBB2_1:
0x11: {  	[tilespmem:s10], [sflag:$0x1] =	stream.linear.gather [hbm4b:s4+s3], $0x2800, $0x38;
	[tilespmem:$0x8600] =	vst v63  }
0x12: {  	_ = 	snop  }
0x13: {  	[tilespmem:s11], [sflag:$0x2] =	stream.linear.gather [hbm4b:s5+s3], $0x2800, $0x38;
	[tilespmem:$0x8600] =	vst v63  }
0x14: {  	_ = 	snop  }
0x15: {  	[tilespmem:s3], [sflag:$0x5] =	stream.linear.gather [hbm4b:s6+s3], $0xA0, $0x38;
	[tilespmem:$0x8600] =	vst v63  }
0x16: {  	_ =	swait.ge [sflag:s12], $0xA0  }
0x17: {  	[sflag:s12] =	ssyncset.done $0x0  }
0x18: {  	[sflag:s12] =	ssyncadd.s32 $0xFFFFFF60  }
0x19: {  	[tilespmem:s13], [sflag:$0x5] =	stream.linear.gather [hbm4b:s2+s3], $0x3200, $0x38;
	[tilespmem:$0x8600] =	vst v63  }
0x1a: {  	_ =	swait.ge [sflag:s12], $0x3200  }
0x1b: {  	v9 =	vmov s3;
	[sflag:s12] =	ssyncset.done $0x0  }
0x1c: {  	[sflag:s12] =	ssyncadd.s32 $0xFFFFCE00  }
0x1d: {  	_ =	swait.ge [sflag:s14], $0x2800  }
0x1e: {  	[sflag:s14] =	ssyncset.done $0x0  }
0x1f: {  	[sflag:s14] =	ssyncadd.s32 $0xFFFFD800  }
0x20: {  	v9 =	vld.idx.msk [tilespmem:v9+s3+$0x0], $0xffff;
	_ =	sdelay $0x1  }
0x21: {  	s21 =	simm.s32 $0x1  }
0x22: {  	s22 =	simm.s32 $0x3540;
	v15 =	vmov s21  }
0x23: {  	v12 =	vld [tilespmem:s22+$0x20]  }
0x24: {  	v14 =	vld [tilespmem:s22+$0xFFFFFFE0];
	v9 =	vshll.u32 v9, $0x7  }
0x25: {  	v16 =	vld [tilespmem:s22+$0xFFFFFFC0];
	v10 =	vor.u32 v0, v9  }
0x26: {  	v19 =	vld [tilespmem:s22+$0xFFFFFFD0];
	v11 =	vor.u32 v1, v9  }
0x27: {  	v15 =	vld.idx.msk [tilespmem:v15+s3+$0x0], $0xffff  }
0x28: {  	v21 =	vld [tilespmem:s22+$0xFFFFFFF0];
	v13 =	vor.u32 v2, v9  }
0x29: {  	v23 =	vld [tilespmem:s22+$0x0]  }
0x2a: {  	v17 =	vor.u32 v3, v9;
	v10 =	vld.idx.msk [tilespmem:v10+s13+$0x0], $0xffff  }
0x2b: {  	v18 =	vor.u32 v4, v9;
	v11 =	vld.idx.msk [tilespmem:v11+s13+$0x0], $0xffff  }
0x2c: {  	v24 =	vld [tilespmem:s22+$0x10];
	v22 =	vor.u32 v6, v9  }
0x2d: {  	v13 =	vld.idx.msk [tilespmem:v13+s13+$0x0], $0xffff  }
0x2e: {  	v25 =	vld [tilespmem:s22+$0x30];
	v20 =	vor.u32 v5, v9  }
0x2f: {  	v17 =	vld.idx.msk [tilespmem:v17+s13+$0x0], $0xffff  }
0x30: {  	v15 =	vshll.u32 v15, $0x7;
	v18 =	vld.idx.msk [tilespmem:v18+s13+$0x0], $0xffff;
	v10 =	vsub.f32 v16, v10;
	v11 =	vsub.f32 v19, v11  }
0x31: {  	s23 =	simm.s32 $0x35C0;
	v9 =	vor.u32 v7, v9;
	v16 =	vld.idx.msk [tilespmem:v22+s13+$0x0], $0xffff;
	v22 =	vor.u32 v1, v15  }
0x32: {  	v26 =	vld [tilespmem:s23+$0xFFFFFFE0];
	v13 =	vsub.f32 v14, v13;
	v10 =	vmul.f32 v10, v10;
	v11 =	vmul.f32 v11, v11  }
0x33: {  	v20 =	vld.idx.msk [tilespmem:v20+s13+$0x0], $0xffff;
	v19 =	vor.u32 v0, v15  }
0x34: {  	v27 =	vld [tilespmem:s23+$0xFFFFFFC0];
	v17 =	vsub.f32 v21, v17;
	v13 =	vmul.f32 v13, v13;
	v10 =	vadd.f32 v11, v10  }
0x35: {  	v55 =	vld [tilespmem:s23+$0x30];
	v28 =	vor.u32 v3, v15;
	v11 =	vor.u32 v2, v15  }
0x36: {  	s22 =	simm.s32 $0x2;
	v9 =	vld.idx.msk [tilespmem:v9+s13+$0x0], $0xffff;
	v10 =	vadd.f32 v13, v10;
	v13 =	vmul.f32 v17, v17;
	v17 =	vsub.f32 v23, v18  }
0x37: {  	v21 =	vmov s22;
	v18 =	vld.idx.msk [tilespmem:v22+s13+$0x0], $0xffff  }
0x38: {  	v23 =	vld [tilespmem:s23+$0xFFFFFFD0];
	v10 =	vadd.f32 v13, v10;
	v13 =	vmul.f32 v17, v17;
	v17 =	vsub.f32 v24, v20  }
0x39: {  	v19 =	vld.idx.msk [tilespmem:v19+s13+$0x0], $0xffff;
	v22 =	vor.u32 v4, v15  }
0x3a: {  	v12 =	vsub.f32 v12, v16;
	v16 =	vld.idx.msk [tilespmem:v28+s13+$0x0], $0xffff;
	v10 =	vadd.f32 v13, v10;
	v13 =	vmul.f32 v17, v17  }
0x3b: {  	v20 =	vor.u32 v5, v15;
	v11 =	vld.idx.msk [tilespmem:v11+s13+$0x0], $0xffff  }
0x3c: {  	v9 =	vsub.f32 v25, v9;
	v12 =	vmul.f32 v12, v12;
	v17 =	vld [tilespmem:s23+$0xFFFFFFF0];
	v10 =	vadd.f32 v13, v10  }
0x3d: {  	v21 =	vld.idx.msk [tilespmem:v21+s3+$0x0], $0xffff;
	v18 =	vsub.f32 v23, v18  }
0x3e: {  	v9 =	vmul.f32 v9, v9;
	v13 =	vld.idx.msk [tilespmem:v22+s13+$0x0], $0xffff;
	v10 =	vadd.f32 v12, v10;
	v12 =	vsub.f32 v27, v19  }
0x3f: {  	v53 =	vor.u32 v6, v15;
	v22 =	vld [tilespmem:s23+$0x0];
	v18 =	vmul.f32 v18, v18  }
0x40: {  	v19 =	vld.idx.msk [tilespmem:v20+s13+$0x0], $0xffff;
	v11 =	vsub.f32 v26, v11;
	v9 =	vadd.f32 v9, v10;
	v10 =	vmul.f32 v12, v12  }
0x41: {  	s24 =	simm.s32 $0x3640;
	v15 =	vor.u32 v7, v15;
	v20 =	vld [tilespmem:s23+$0x10];
	v16 =	vsub.f32 v17, v16  }
0x42: {  	v56 =	vld [tilespmem:s24+$0xFFFFFFC0];
	v12 =	vshll.u32 v21, $0x7;
	v11 =	vmul.f32 v11, v11;
	v10 =	vadd.f32 v18, v10  }
0x43: {  	v14 =	vld [tilespmem:s23+$0x20];
	v23 =	vor.u32 v0, v12;
	v54 =	vor.u32 v1, v12  }
0x44: {  	v21 =	vld.idx.msk [tilespmem:v53+s13+$0x0], $0xffff;
	v13 =	vsub.f32 v22, v13;
	v10 =	vadd.f32 v11, v10;
	v11 =	vmul.f32 v16, v16  }
0x45: {  	v57 =	vld [tilespmem:s24+$0xFFFFFFD0];
	v17 =	vor.u32 v2, v12;
	v22 =	vor.u32 v3, v12  }
0x46: {  	v15 =	vld.idx.msk [tilespmem:v15+s13+$0x0], $0xffff;
	v13 =	vmul.f32 v13, v13;
	v19 =	vsub.f32 v20, v19;
	v10 =	vadd.f32 v11, v10  }
0x47: {  	(xrf2) =	vadd.scan.msk.f32 $0xffff, v9;
	v18 =	vld [tilespmem:s24+$0xFFFFFFE0];
	v20 =	vor.u32 v4, v12  }
0x48: {  	s23 =	simm.s32 $0x3;
	v23 =	vld.idx.msk [tilespmem:v23+s13+$0x0], $0xffff;
	v10 =	vadd.f32 v13, v10;
	v13 =	vmul.f32 v19, v19;
	v19 =	vor.u32 v5, v12  }
0x49: {  	v16 =	vmov s23;
	v14 =	vsub.f32 v14, v21;
	v11 =	vld.idx.msk [tilespmem:v54+s13+$0x0], $0xffff  }
0x4a: {  	v17 =	vld.idx.msk [tilespmem:v17+s13+$0x0], $0xffff  }
0x4b: {  	v15 =	vsub.f32 v55, v15;
	v22 =	vld.idx.msk [tilespmem:v22+s13+$0x0], $0xffff;
	v14 =	vmul.f32 v14, v14;
	v10 =	vadd.f32 v13, v10  }
0x4c: {  	v20 =	vld.idx.msk [tilespmem:v20+s13+$0x0], $0xffff  }
0x4d: {  	v15 =	vmul.f32 v15, v15;
	v61 =	vld.idx.msk [tilespmem:v19+s13+$0x0], $0xffff;
	v19 =	vadd.f32 v14, v10  }
0x4e: {  	v16 =	vld.idx.msk [tilespmem:v16+s3+$0x0], $0xffff  }
0x4f: {  	v58 =	vor.u32 v6, v12;
	v13 =	vld [tilespmem:s24+$0xFFFFFFF0];
	v23 =	vsub.f32 v56, v23;
	v15 =	vadd.f32 v15, v19  }
0x50: {  	s25 =	sand.u32 $0xF, s3;
	v12 =	vor.u32 v7, v12;
	v11 =	vsub.f32 v57, v11;
	v17 =	vsub.f32 v18, v17;
	v18 =	vld [tilespmem:s24+$0x0]  }
0x51: {  	v59 =	vmov s25;
	v60, _, _ =	vpop (xrf2);
	(xrf2) =	vadd.scan.msk.f32 $0xffff, v15  }
0x52: {  	vm0 =	veq.s32 v59, v0;
	v62 =	vld [tilespmem:s24+$0x10];
	v23 =	vmul.f32 v23, v23;
	v11 =	vmul.f32 v11, v11  }
0x53: {  	v9 =	vld [tilespmem:s24+$0x20];
	v21 =	vimm.f32 $0.0e+00;
	v24 =	vperm.xlane v60, v8;
	v17 =	vmul.f32 v17, v17  }
0x54: {  	v14 =	vld.idx.msk [tilespmem:v58+s13+$0x0], $0xffff;
	v23 =	vadd.f32 v11, v23;
	v13 =	vsub.f32 v13, v22;
	v11 =	vshll.u32 v16, $0x7  }
0x55: {  	p0 =	sne.s32 s25, $0xF;
	v12 =	vld.idx.msk [tilespmem:v12+s13+$0x0], $0xffff;
	v21 =	vsel vm0, v24, v21;
	v20 =	vsub.f32 v18, v20;
	v22 =	vor.u32 v0, v11  }
0x56: {  	s25 =	simm.s32 $0x36C0;
	s26 =	sand.u32 @!p0 $0x1C0, s3;
	v16 =	vld [tilespmem:s24+$0x30];
	v19 =	vor.u32 v1, v11;
	v23 =	vadd.f32 v17, v23;
	v63 =	vmul.f32 v13, v13  }
0x57: {  	s24 =	sshrl.u32 @!p0 s26, $0x2;
	v10 =	vpsel !p0, $0x0, v21;
	v17 =	vor.u32 v2, v11;
	v15 =	vld [tilespmem:s25+$0x20]  }
0x58: {  	s26 =	simm.s32 $0x4;
	[tilespmem:s24+$0x8500] =	vst @!p0 v21;
	s24 =	simm.s32 $0x0;
	v13 =	vld [tilespmem:s25+$0xFFFFFFE0];
	v20 =	vmul.f32 v20, v20;
	v21 =	vsub.f32 v62, v61;
	v18 =	vadd.f32 v63, v23  }
.LBB2_2:
0x59: {  	v23 =	vmov s26;
	v24 =	vld [tilespmem:s25+$0xFFFFFFC0];
	v25 =	vor.u32 v3, v11  }
0x5a: {  	v27 =	vsub.f32 v9, v14;
	s28 =	sand.u32 $0xF, s21;
	s21 =	smov.u32 s22;
	s22 =	smov.u32 s23;
	v22 =	vld.idx.msk [tilespmem:v22+s13+$0x0], $0xffff;
	v18 =	vadd.f32 v20, v18;
	v20 =	vmul.f32 v21, v21  }
0x5b: {  	s23 =	smov.u32 s26;
	s26 =	sadd.s32 $0x1, s26;
	v14 =	vld.idx.msk [tilespmem:v19+s13+$0x0], $0xffff;
	v19 =	vor.u32 v4, v11;
	v12 =	vsub.f32 v16, v12;
	v16 =	vmov s28;
	v21, _, _ =	vpop (xrf2)  }
0x5c: {  	p0 =	sne.s32 s26, $0x50;
	v26 =	vld [tilespmem:s25+$0xFFFFFFD0];
	v18 =	vadd.f32 v20, v18;
	v20 =	vmul.f32 v27, v27;
	v21 =	vperm.xlane v21, v8;
	v9 =	vmovc v15  }
0x5d: {  	vm0 =	veq.s32 v16, v0;
	v15 =	vld.idx.msk [tilespmem:v17+s13+$0x0], $0xffff;
	v17 =	vor.u32 v5, v11  }
0x5e: {  	s24 =	sadd.s32 $0x4, s24;
	p1 =	sne.s32 s28, $0xF;
	v12 =	vmul.f32 v12, v12;
	v16 =	vld.idx.msk [tilespmem:v23+s3+$0x0], $0xffff;
	v18 =	vadd.f32 v20, v18;
	v20 =	vsel vm0, v21, v10  }
0x5f: {  	s28 =	sand.u32 @!p1 $0x1C0, s24;
	v21 =	vld.idx.msk [tilespmem:v25+s13+$0x0], $0xffff;
	v10 =	vpsel !p1, $0x0, v20  }
0x60: {  	s28 =	sshrl.u32 @!p1 s28, $0x2;
	v25 =	vor.u32 v6, v11;
	v23 =	vld [tilespmem:s25+$0xFFFFFFF0];
	v12 =	vadd.f32 v12, v18  }
0x61: {  	v18 =	vsub.f32 v24, v22;
	v14 =	vsub.f32 v26, v14;
	v24 =	vld.idx.msk [tilespmem:v19+s13+$0x0], $0xffff;
	v26 =	vor.u32 v7, v11  }
0x62: {  	v27 =	vld [tilespmem:s25+$0x0];
	(xrf2) =	vadd.scan.msk.f32 $0xffff, v12;
	[tilespmem:s28+$0x8500] =	vst @!p1 v20  }
0x63: {  	v12 =	vmul.f32 v18, v18;
	v13 =	vsub.f32 v13, v15;
	v14 =	vmul.f32 v14, v14;
	v28 =	vld.idx.msk [tilespmem:v17+s13+$0x0], $0xffff  }
0x64: {  	v11 =	vshll.u32 v16, $0x7;
	v29 =	vld [tilespmem:s25+$0x10]  }
.Ltmp0:
0x65: {  	v13 =	vmul.f32 v13, v13;
	v15 =	vadd.f32 v14, v12;
	v16 =	vsub.f32 v23, v21;
	v14 =	vld.idx.msk [tilespmem:v25+s13+$0x0], $0xffff;
	(pc) =	sbr.rel @p0 .LBB2_2-.Ltmp0, $4  }
0x66: {  	v22 =	vor.u32 v0, v11;
	v19 =	vor.u32 v1, v11;
	v12 =	vld.idx.msk [tilespmem:v26+s13+$0x0], $0xffff  }
0x67: {  	v18 =	vadd.f32 v13, v15;
	v20 =	vmul.f32 v16, v16;
	v21 =	vsub.f32 v27, v24;
	v16 =	vld [tilespmem:s25+$0x30];
	s25 =	sadd.s32 $0x80, s25  }
0x68: {  	v17 =	vor.u32 v2, v11;
	v15 =	vld [tilespmem:s25+$0x20]  }
0x69: {  	v13 =	vld [tilespmem:s25+$0xFFFFFFE0];
	v18 =	vadd.f32 v20, v18;
	v20 =	vmul.f32 v21, v21;
	v21 =	vsub.f32 v29, v28  }
0x6a: {  	_ =	sdelay $0x2  }
0x6b: {  	v23 =	vld [tilespmem:s25+$0xFFFFFFC0]  }
0x6c: {  	v22 =	vld.idx.msk [tilespmem:v22+s13+$0x0], $0xffff  }
0x6d: {  	v24 =	vor.u32 v3, v11;
	v19 =	vld.idx.msk [tilespmem:v19+s13+$0x0], $0xffff  }
0x6e: {  	v26 =	vld [tilespmem:s25+$0xFFFFFFD0]  }
0x6f: {  	v25 =	vor.u32 v4, v11  }
0x70: {  	v17 =	vld.idx.msk [tilespmem:v17+s13+$0x0], $0xffff  }
0x71: {  	v27 =	vor.u32 v5, v11;
	v28 =	vld [tilespmem:s25+$0xFFFFFFF0]  }
0x72: {  	v24 =	vld.idx.msk [tilespmem:v24+s13+$0x0], $0xffff  }
0x73: {  	v52 =	vld [tilespmem:s25+$0x0];
	v22 =	vsub.f32 v23, v22;
	v23 =	vor.u32 v6, v11;
	v19 =	vsub.f32 v26, v19  }
0x74: {  	v25 =	vld.idx.msk [tilespmem:v25+s13+$0x0], $0xffff;
	v11 =	vor.u32 v7, v11  }
0x75: {  	v53 =	vld [tilespmem:s25+$0x10];
	v13 =	vsub.f32 v13, v17;
	v22 =	vmul.f32 v22, v22;
	v19 =	vmul.f32 v19, v19  }
0x76: {  	v17 =	vld.idx.msk [tilespmem:v27+s13+$0x0], $0xffff  }
0x77: {  	v13 =	vmul.f32 v13, v13;
	v19 =	vadd.f32 v19, v22;
	v22 =	vsub.f32 v28, v24  }
0x78: {  	v9 =	vsub.f32 v9, v14;
	v23 =	vld.idx.msk [tilespmem:v23+s13+$0x0], $0xffff  }
0x79: {  	v14 =	vld [tilespmem:s25+$0x30];
	v13 =	vadd.f32 v13, v19;
	v19 =	vmul.f32 v22, v22;
	v22 =	vsub.f32 v52, v25  }
0x7a: {  	v18 =	vadd.f32 v20, v18;
	v20 =	vmul.f32 v21, v21;
	v11 =	vld.idx.msk [tilespmem:v11+s13+$0x0], $0xffff  }
0x7b: {  	v17 =	vsub.f32 v53, v17;
	v13 =	vadd.f32 v19, v13;
	v19 =	vmul.f32 v22, v22  }
0x7c: {  	v12 =	vsub.f32 v16, v12;
	v9 =	vmul.f32 v9, v9;
	v16 =	vadd.f32 v20, v18  }
0x7d: {  	v17 =	vmul.f32 v17, v17;
	v15 =	vsub.f32 v15, v23;
	v13 =	vadd.f32 v19, v13  }
0x7e: {  	v12 =	vmul.f32 v12, v12;
	v9 =	vadd.f32 v9, v16  }
0x7f: {  	v11 =	vsub.f32 v14, v11;
	v14 =	vmul.f32 v15, v15;
	v13 =	vadd.f32 v17, v13;
	_ =	sdelay $0x1  }
0x80: {  	v9 =	vadd.f32 v12, v9;
	v11 =	vmul.f32 v11, v11;
	v12 =	vadd.f32 v14, v13;
	_ =	sdelay $0x1  }
0x81: {  	(xrf2) =	vadd.scan.msk.f32 $0xffff, v9;
	v9 =	vadd.f32 v11, v12;
	_ =	sdelay $0x1  }
0x82: {  	(xrf2) =	vadd.scan.msk.f32 $0xffff, v9;
	_ =	sdelay $0x3  }
0x83: {  	s21 =	sand.u32 $0xF, s21;
	v9, _, _ =	vpop (xrf2)  }
0x84: {  	v11 =	vmov s21;
	v9 =	vperm.xlane v9, v8  }
0x85: {  	s22 =	sand.u32 $0xF, s22;
	vm0 =	veq.s32 v11, v0  }
0x86: {  	v9 =	vsel vm0, v9, v10;
	v10 =	vmov s22  }
0x87: {  	s31 =	sand.u32 $0xF, s23;
	v12, _, _ =	vpop (xrf2)  }
0x88: {  	p0 =	sne.s32 s21, $0xF;
	p1 =	sne.s32 s22, $0xF;
	s21 =	sadd.s32 $0x4, s24;
	v11 =	vperm.xlane v12, v8  }
0x89: {  	p2 =	sne.s32 s31, $0xF;
	s24 =	sand.u32 @!p0 $0x1C0, s21;
	s21 =	sadd.s32 $0x4, s21;
	v12 =	vpsel !p0, $0x0, v9;
	vm13 =	veq.s32 v10, v0;
	v10, _, _ =	vpop (xrf2)  }
0x8a: {  	s24 =	sshrl.u32 @!p0 s24, $0x2;
	s23 =	sand.u32 @!p1 $0x1C0, s21;
	s21 =	sadd.s32 $0x4, s21;
	v11 =	vsel vm13, v11, v12;
	v12 =	vmov s31;
	v10 =	vperm.xlane v10, v8  }
0x8b: {  	s21 =	sand.u32 @!p2 $0x1C0, s21;
	s22 =	sshrl.u32 @!p1 s23, $0x2;
	[tilespmem:s24+$0x8500] =	vst @!p0 v9;
	v9 =	vpsel !p1, $0x0, v11;
	vm14 =	veq.s32 v12, v0  }
0x8c: {  	s21 =	sshrl.u32 @!p2 s21, $0x2;
	s23 =	simm.s32 $0x50;
	[tilespmem:s22+$0x8500] =	vst @!p1 v11;
	v9 =	vsel vm14, v10, v9  }
0x8d: {  	[tilespmem:s21+$0x8500] =	vst @!p2 v9;
	s21 =	simm.s32 $0x0;
	v9 =	vmov s23  }
0x8e: {  	[hbm4b:s7+s21] =	stream.linear.scatter [tilespmem:s15], [sflag:$0x3], $0x50, $0x38;
	[tilespmem:$0x8600] =	vst v63  }
0x8f: {  	_ =	swait.ge [sflag:s16], $0x2800  }
0x90: {  	[sflag:s16] =	ssyncset.done $0x0  }
0x91: {  	[sflag:s16] =	ssyncadd.s32 $0xFFFFD800  }
0x92: {  	v9 =	vld.idx.msk [tilespmem:v9+s3+$0x0], $0xffff;
	_ =	sdelay $0x3  }
0x93: {  	s25 =	simm.s32 $0x51  }
0x94: {  	v15 =	vmov s25;
	s24 =	simm.s32 $0x5D40;
	v9 =	vshll.u32 v9, $0x7  }
0x95: {  	v12 =	vld [tilespmem:s24+$0x20];
	v10 =	vor.u32 v0, v9  }
0x96: {  	v14 =	vld [tilespmem:s24+$0xFFFFFFE0];
	v11 =	vor.u32 v1, v9  }
0x97: {  	v16 =	vld [tilespmem:s24+$0xFFFFFFC0];
	v13 =	vor.u32 v2, v9  }
0x98: {  	v19 =	vld [tilespmem:s24+$0xFFFFFFD0]  }
0x99: {  	v15 =	vld.idx.msk [tilespmem:v15+s3+$0x0], $0xffff;
	v17 =	vor.u32 v3, v9  }
0x9a: {  	v18 =	vor.u32 v4, v9;
	v10 =	vld.idx.msk [tilespmem:v10+s13+$0x0], $0xffff  }
0x9b: {  	v11 =	vld.idx.msk [tilespmem:v11+s13+$0x0], $0xffff  }
0x9c: {  	v20 =	vor.u32 v5, v9;
	v13 =	vld.idx.msk [tilespmem:v13+s13+$0x0], $0xffff  }
0x9d: {  	v21 =	vld [tilespmem:s24+$0xFFFFFFF0]  }
0x9e: {  	v22 =	vor.u32 v6, v9;
	v17 =	vld.idx.msk [tilespmem:v17+s13+$0x0], $0xffff  }
0x9f: {  	v18 =	vld.idx.msk [tilespmem:v18+s13+$0x0], $0xffff  }
0xa0: {  	v10 =	vsub.f32 v16, v10;
	v16 =	vld [tilespmem:s24+$0x0];
	v11 =	vsub.f32 v19, v11  }
0xa1: {  	v9 =	vor.u32 v7, v9;
	v19 =	vld.idx.msk [tilespmem:v20+s13+$0x0], $0xffff;
	v13 =	vsub.f32 v14, v13  }
0xa2: {  	v20 =	vld [tilespmem:s24+$0x10];
	v14 =	vshll.u32 v15, $0x7;
	v10 =	vmul.f32 v10, v10;
	v11 =	vmul.f32 v11, v11  }
0xa3: {  	v15 =	vld.idx.msk [tilespmem:v22+s13+$0x0], $0xffff;
	v17 =	vsub.f32 v21, v17;
	v22 =	vor.u32 v0, v14  }
0xa4: {  	s26 =	simm.s32 $0x5DC0;
	v23 =	vld [tilespmem:s24+$0x30];
	v10 =	vadd.f32 v11, v10;
	v11 =	vmul.f32 v13, v13  }
0xa5: {  	s28 =	simm.s32 $0x52;
	v54 =	vld [tilespmem:s26+$0xFFFFFFE0];
	v17 =	vmul.f32 v17, v17;
	v13 =	vor.u32 v1, v14  }
0xa6: {  	v55 =	vld [tilespmem:s26+$0xFFFFFFC0];
	v16 =	vsub.f32 v16, v18;
	v18 =	vmov s28;
	v10 =	vadd.f32 v11, v10  }
0xa7: {  	v9 =	vld.idx.msk [tilespmem:v9+s13+$0x0], $0xffff;
	v56 =	vor.u32 v3, v14;
	v11 =	vor.u32 v2, v14  }
0xa8: {  	v22 =	vld.idx.msk [tilespmem:v22+s13+$0x0], $0xffff;
	v16 =	vmul.f32 v16, v16;
	v10 =	vadd.f32 v17, v10;
	v17 =	vsub.f32 v20, v19  }
0xa9: {  	v12 =	vsub.f32 v12, v15;
	v20 =	vld [tilespmem:s26+$0xFFFFFFD0]  }
0xaa: {  	v19 =	vor.u32 v4, v14;
	v13 =	vld.idx.msk [tilespmem:v13+s13+$0x0], $0xffff;
	v10 =	vadd.f32 v16, v10;
	v16 =	vmul.f32 v17, v17  }
0xab: {  	v17 =	vld.idx.msk [tilespmem:v18+s3+$0x0], $0xffff  }
0xac: {  	v9 =	vsub.f32 v23, v9;
	v12 =	vmul.f32 v12, v12;
	v11 =	vld.idx.msk [tilespmem:v11+s13+$0x0], $0xffff;
	v10 =	vadd.f32 v16, v10  }
0xad: {  	v15 =	vor.u32 v5, v14;
	v18 =	vld.idx.msk [tilespmem:v56+s13+$0x0], $0xffff  }
0xae: {  	v9 =	vmul.f32 v9, v9;
	v16 =	vld [tilespmem:s26+$0xFFFFFFF0];
	v10 =	vadd.f32 v12, v10  }
0xaf: {  	v23 =	vor.u32 v6, v14;
	v19 =	vld.idx.msk [tilespmem:v19+s13+$0x0], $0xffff;
	v12 =	vsub.f32 v55, v22;
	v13 =	vsub.f32 v20, v13  }
0xb0: {  	v14 =	vor.u32 v7, v14;
	v22 =	vld [tilespmem:s26+$0x0];
	v9 =	vadd.f32 v9, v10  }
0xb1: {  	v21 =	vld [tilespmem:s26+$0x20];
	v10 =	vmul.f32 v12, v12;
	v13 =	vmul.f32 v13, v13;
	v11 =	vsub.f32 v54, v11  }
0xb2: {  	v15 =	vld.idx.msk [tilespmem:v15+s13+$0x0], $0xffff;
	v12 =	vshll.u32 v17, $0x7  }
0xb3: {  	v17 =	vld [tilespmem:s26+$0x10];
	v16 =	vsub.f32 v16, v18;
	(xrf2) =	vadd.scan.msk.f32 $0xffff, v9;
	v10 =	vadd.f32 v13, v10;
	v11 =	vmul.f32 v11, v11  }
0xb4: {  	s29 =	simm.s32 $0x5E40;
	v20 =	vld.idx.msk [tilespmem:v23+s13+$0x0], $0xffff;
	v23 =	vor.u32 v0, v12  }
0xb5: {  	v60 =	vld [tilespmem:s29+$0xFFFFFFF0];
	v16 =	vmul.f32 v16, v16;
	v19 =	vsub.f32 v22, v19;
	v10 =	vadd.f32 v11, v10  }
0xb6: {  	v14 =	vld.idx.msk [tilespmem:v14+s13+$0x0], $0xffff;
	v57 =	vor.u32 v1, v12  }
0xb7: {  	v13 =	vld [tilespmem:s26+$0x30];
	v10 =	vadd.f32 v16, v10;
	v16 =	vmul.f32 v19, v19  }
0xb8: {  	v18 =	vld [tilespmem:s29+$0xFFFFFFC0];
	v15 =	vsub.f32 v17, v15  }
0xb9: {  	s30 =	simm.s32 $0x53;
	v11 =	vor.u32 v2, v12;
	v17 =	vld [tilespmem:s29+$0xFFFFFFD0];
	v10 =	vadd.f32 v16, v10;
	v16 =	vsub.f32 v21, v20  }
0xba: {  	s31 =	sand.u32 $0xF, s21;
	v22 =	vmov s30;
	v23 =	vld.idx.msk [tilespmem:v23+s13+$0x0], $0xffff;
	v15 =	vmul.f32 v15, v15  }
0xbb: {  	v61 =	vmov s31;
	v58 =	vor.u32 v3, v12;
	v24 =	vld.idx.msk [tilespmem:v57+s13+$0x0], $0xffff  }
0xbc: {  	v62 =	vld [tilespmem:s29+$0x0];
	v13 =	vsub.f32 v13, v14;
	v10 =	vadd.f32 v15, v10;
	v14 =	vmul.f32 v16, v16  }
0xbd: {  	vm15 =	veq.s32 v61, v0;
	v59 =	vor.u32 v4, v12;
	v19 =	vld [tilespmem:s29+$0xFFFFFFE0];
	v21 =	vor.u32 v5, v12;
	v16, _, _ =	vpop (xrf2)  }
0xbe: {  	v11 =	vld.idx.msk [tilespmem:v11+s13+$0x0], $0xffff;
	v13 =	vmul.f32 v13, v13;
	v10 =	vadd.f32 v14, v10;
	v16 =	vperm.xlane v16, v8  }
0xbf: {  	v20 =	vimm.f32 $0.0e+00;
	v22 =	vld.idx.msk [tilespmem:v22+s3+$0x0], $0xffff;
	v18 =	vsub.f32 v18, v23;
	v23 =	vor.u32 v6, v12  }
0xc0: {  	v15 =	vld.idx.msk [tilespmem:v58+s13+$0x0], $0xffff;
	v17 =	vsub.f32 v17, v24;
	v20 =	vsel vm15, v16, v20;
	v16 =	vadd.f32 v13, v10  }
0xc1: {  	v9 =	vld [tilespmem:s29+$0x20];
	v12 =	vor.u32 v7, v12  }
0xc2: {  	v26 =	vld.idx.msk [tilespmem:v59+s13+$0x0], $0xffff;
	v18 =	vmul.f32 v18, v18;
	v63 =	vmul.f32 v17, v17;
	(xrf2) =	vadd.scan.msk.f32 $0xffff, v16  }
0xc3: {  	v14 =	vld.idx.msk [tilespmem:v21+s13+$0x0], $0xffff;
	v11 =	vsub.f32 v19, v11  }
0xc4: {  	v17 =	vld [tilespmem:s29+$0x10];
	v18 =	vadd.f32 v63, v18  }
0xc5: {  	p0 =	sne.s32 s31, $0xF;
	v15 =	vsub.f32 v60, v15;
	v21 =	vmul.f32 v11, v11;
	v13 =	vld.idx.msk [tilespmem:v23+s13+$0x0], $0xffff;
	v11 =	vshll.u32 v22, $0x7  }
0xc6: {  	s24 =	sand.u32 @!p0 $0x1C0, s21;
	v12 =	vld.idx.msk [tilespmem:v12+s13+$0x0], $0xffff;
	v22 =	vor.u32 v0, v11;
	v19 =	vor.u32 v1, v11  }
0xc7: {  	s25 =	simm.s32 $0x5EC0;
	s22 =	simm.s32 $0x3;
	s28 =	sshrl.u32 @!p0 s24, $0x2;
	v16 =	vld [tilespmem:s29+$0x30];
	v23 =	vmul.f32 v15, v15;
	v18 =	vadd.f32 v21, v18;
	v21 =	vsub.f32 v62, v26  }
0xc8: {  	s23 =	simm.s32 $0x1;
	s24 =	simm.s32 $0x2;
	s26 =	simm.s32 $0x4;
	v10 =	vpsel !p0, $0x0, v20;
	[tilespmem:s28+$0x8580] =	vst @!p0 v20;
	v20 =	vor.u32 v2, v11;
	v15 =	vld [tilespmem:s25+$0x20]  }
.LBB2_4:
0xc9: {  	s28 =	sadd.s32 $0x50, s26;
	v24 =	vld [tilespmem:s25+$0xFFFFFFE0];
	v18 =	vadd.f32 v23, v18;
	v26 =	vmul.f32 v21, v21;
	v14 =	vsub.f32 v17, v14;
	s29 =	smov.u32 s26  }
0xca: {  	v25 =	vor.u32 v3, v11;
	v17 =	vmov s28;
	v23 =	vld [tilespmem:s25+$0xFFFFFFC0]  }
0xcb: {  	s26 =	sadd.s32 $0x1, s26;
	v27 =	vsub.f32 v9, v13;
	s28 =	sand.u32 $0xF, s23;
	s23 =	smov.u32 s24;
	v22 =	vld.idx.msk [tilespmem:v22+s13+$0x0], $0xffff;
	v18 =	vadd.f32 v26, v18;
	v14 =	vmul.f32 v14, v14  }
0xcc: {  	p0 =	sne.s32 s26, $0x50;
	s24 =	smov.u32 s22;
	s22 =	smov.u32 s29;
	v13 =	vld.idx.msk [tilespmem:v19+s13+$0x0], $0xffff;
	v19 =	vor.u32 v4, v11;
	v12 =	vsub.f32 v16, v12;
	v16 =	vmov s28;
	v21, _, _ =	vpop (xrf2)  }
0xcd: {  	v26 =	vld [tilespmem:s25+$0xFFFFFFD0];
	v14 =	vadd.f32 v14, v18;
	v18 =	vmul.f32 v27, v27;
	v21 =	vperm.xlane v21, v8;
	v9 =	vmovc v15  }
0xce: {  	vm0 =	veq.s32 v16, v0;
	v15 =	vld.idx.msk [tilespmem:v20+s13+$0x0], $0xffff;
	v20 =	vor.u32 v5, v11  }
0xcf: {  	s21 =	sadd.s32 $0x4, s21;
	p1 =	sne.s32 s28, $0xF;
	v12 =	vmul.f32 v12, v12;
	v16 =	vld.idx.msk [tilespmem:v17+s3+$0x0], $0xffff;
	v14 =	vadd.f32 v18, v14;
	v17 =	vsel vm0, v21, v10  }
0xd0: {  	s28 =	sand.u32 @!p1 $0x1C0, s21;
	v18 =	vld.idx.msk [tilespmem:v25+s13+$0x0], $0xffff;
	v10 =	vpsel !p1, $0x0, v17  }
0xd1: {  	s28 =	sshrl.u32 @!p1 s28, $0x2;
	v25 =	vor.u32 v6, v11;
	v21 =	vld [tilespmem:s25+$0xFFFFFFF0];
	v12 =	vadd.f32 v12, v14  }
0xd2: {  	v14 =	vsub.f32 v23, v22;
	v23 =	vor.u32 v7, v11;
	v13 =	vsub.f32 v26, v13;
	v26 =	vld.idx.msk [tilespmem:v19+s13+$0x0], $0xffff  }
0xd3: {  	v27 =	vld [tilespmem:s25+$0x0];
	(xrf2) =	vadd.scan.msk.f32 $0xffff, v12;
	[tilespmem:s28+$0x8580] =	vst @!p1 v17  }
0xd4: {  	v12 =	vmul.f32 v14, v14;
	v15 =	vsub.f32 v24, v15;
	v13 =	vmul.f32 v13, v13;
	v14 =	vld.idx.msk [tilespmem:v20+s13+$0x0], $0xffff  }
.Ltmp1:
0xd5: {  	v11 =	vshll.u32 v16, $0x7;
	v17 =	vld [tilespmem:s25+$0x10];
	(pc) =	sbr.rel @p0 .LBB2_4-.Ltmp1, $4  }
0xd6: {  	v15 =	vmul.f32 v15, v15;
	v16 =	vadd.f32 v13, v12;
	v20 =	vsub.f32 v21, v18;
	v13 =	vld.idx.msk [tilespmem:v25+s13+$0x0], $0xffff  }
0xd7: {  	v22 =	vor.u32 v0, v11;
	v19 =	vor.u32 v1, v11;
	v12 =	vld.idx.msk [tilespmem:v23+s13+$0x0], $0xffff  }
0xd8: {  	v18 =	vadd.f32 v15, v16;
	v23 =	vmul.f32 v20, v20;
	v21 =	vsub.f32 v27, v26;
	v16 =	vld [tilespmem:s25+$0x30];
	s25 =	sadd.s32 $0x80, s25  }
0xd9: {  	v20 =	vor.u32 v2, v11;
	v15 =	vld [tilespmem:s25+$0x20]  }
0xda: {  	_ =	sdelay $0x2  }
0xdb: {  	v24 =	vld [tilespmem:s25+$0xFFFFFFC0]  }
0xdc: {  	v22 =	vld.idx.msk [tilespmem:v22+s13+$0x0], $0xffff  }
0xdd: {  	v25 =	vor.u32 v3, v11;
	v19 =	vld.idx.msk [tilespmem:v19+s13+$0x0], $0xffff  }
0xde: {  	v27 =	vld [tilespmem:s25+$0xFFFFFFD0]  }
0xdf: {  	v26 =	vor.u32 v4, v11;
	v28 =	vld [tilespmem:s25+$0xFFFFFFE0]  }
0xe0: {  	v20 =	vld.idx.msk [tilespmem:v20+s13+$0x0], $0xffff  }
0xe1: {  	v29 =	vor.u32 v5, v11;
	v30 =	vld [tilespmem:s25+$0xFFFFFFF0]  }
0xe2: {  	v25 =	vld.idx.msk [tilespmem:v25+s13+$0x0], $0xffff  }
0xe3: {  	v43 =	vor.u32 v6, v11;
	v44 =	vld [tilespmem:s25+$0x0];
	v22 =	vsub.f32 v24, v22;
	v19 =	vsub.f32 v27, v19  }
0xe4: {  	v11 =	vor.u32 v7, v11;
	v26 =	vld.idx.msk [tilespmem:v26+s13+$0x0], $0xffff  }
0xe5: {  	v46 =	vld [tilespmem:s25+$0x10];
	v20 =	vsub.f32 v28, v20;
	v22 =	vmul.f32 v22, v22;
	v19 =	vmul.f32 v19, v19  }
0xe6: {  	v45 =	vld.idx.msk [tilespmem:v29+s13+$0x0], $0xffff  }
0xe7: {  	v20 =	vmul.f32 v20, v20;
	v19 =	vadd.f32 v19, v22;
	v47 =	vsub.f32 v30, v25  }
0xe8: {  	v18 =	vadd.f32 v23, v18;
	v14 =	vsub.f32 v17, v14;
	v48 =	vmul.f32 v21, v21;
	v49 =	vld.idx.msk [tilespmem:v43+s13+$0x0], $0xffff  }
0xe9: {  	v52 =	vld [tilespmem:s25+$0x30];
	v51 =	vsub.f32 v44, v26;
	v19 =	vadd.f32 v20, v19;
	v50 =	vmul.f32 v47, v47  }
0xea: {  	v9 =	vsub.f32 v9, v13;
	v17 =	vadd.f32 v48, v18;
	v14 =	vmul.f32 v14, v14;
	v11 =	vld.idx.msk [tilespmem:v11+s13+$0x0], $0xffff  }
0xeb: {  	v55 =	vsub.f32 v46, v45;
	v54 =	vmul.f32 v51, v51;
	v53 =	vadd.f32 v50, v19  }
0xec: {  	v12 =	vsub.f32 v16, v12;
	v9 =	vmul.f32 v9, v9;
	v14 =	vadd.f32 v14, v17  }
0xed: {  	v15 =	vsub.f32 v15, v49;
	v57 =	vmul.f32 v55, v55;
	v56 =	vadd.f32 v54, v53  }
0xee: {  	v12 =	vmul.f32 v12, v12;
	v9 =	vadd.f32 v9, v14  }
0xef: {  	v11 =	vsub.f32 v52, v11;
	v59 =	vmul.f32 v15, v15;
	v58 =	vadd.f32 v57, v56;
	_ =	sdelay $0x1  }
0xf0: {  	v9 =	vadd.f32 v12, v9;
	v11 =	vmul.f32 v11, v11;
	v60 =	vadd.f32 v59, v58;
	_ =	sdelay $0x1  }
0xf1: {  	(xrf2) =	vadd.scan.msk.f32 $0xffff, v9;
	v9 =	vadd.f32 v11, v60;
	_ =	sdelay $0x1  }
0xf2: {  	(xrf2) =	vadd.scan.msk.f32 $0xffff, v9;
	_ =	sdelay $0x3  }
0xf3: {  	s23 =	sand.u32 $0xF, s23;
	v9, _, _ =	vpop (xrf2)  }
0xf4: {  	v11 =	vmov s23;
	v9 =	vperm.xlane v9, v8  }
0xf5: {  	s24 =	sand.u32 $0xF, s24;
	vm0 =	veq.s32 v11, v0  }
0xf6: {  	v9 =	vsel vm0, v9, v10;
	v10 =	vmov s24  }
0xf7: {  	s21 =	sadd.s32 $0x4, s21;
	v61, _, _ =	vpop (xrf2)  }
0xf8: {  	s22 =	sand.u32 $0xF, s22;
	p0 =	sne.s32 s23, $0xF;
	p1 =	sne.s32 s24, $0xF;
	v11 =	vperm.xlane v61, v8  }
0xf9: {  	p2 =	sne.s32 s22, $0xF;
	s23 =	sand.u32 @!p0 $0x1C0, s21;
	s21 =	sadd.s32 $0x4, s21;
	v62 =	vpsel !p0, $0x0, v9;
	vm14 =	veq.s32 v10, v0;
	v10, _, _ =	vpop (xrf2)  }
0xfa: {  	v63 =	vmov s22;
	s23 =	sshrl.u32 @!p0 s23, $0x2;
	s24 =	sand.u32 @!p1 $0x1C0, s21;
	s21 =	sadd.s32 $0x4, s21;
	v11 =	vsel vm14, v11, v62;
	v10 =	vperm.xlane v10, v8  }
0xfb: {  	vm15 =	veq.s32 v63, v0;
	[tilespmem:s23+$0x8580] =	vst @!p0 v9;
	s22 =	sshrl.u32 @!p1 s24, $0x2;
	s21 =	sand.u32 @!p2 $0x1C0, s21;
	v9 =	vpsel !p1, $0x0, v11  }
0xfc: {  	s21 =	sshrl.u32 @!p2 s21, $0x2;
	[tilespmem:s22+$0x8580] =	vst @!p1 v11;
	v9 =	vsel vm15, v10, v9  }
0xfd: {  	s20 =	sadd.s32 $0x1, s20;
	[tilespmem:s21+$0x8580] =	vst @!p2 v9  }
0xfe: {  	[hbm4b:s8+s3] =	stream.linear.scatter [tilespmem:s17], [sflag:$0x4], $0x50, $0x38;
	[tilespmem:$0x8600] =	vst v63  }
0xff: {  	p0 =	sne.s32 s20, s9;
	_ =	swait.ge [sflag:s18], $0x50  }
.Ltmp2:
0x100: {  	[sflag:s18] =	ssyncset.done $0x0;
	(pc) =	sbr.rel @p0 .LBB2_1-.Ltmp2, $4  }
0x101: {  	[sflag:s18] =	ssyncadd.s32 $0xFFFFFFB0  }
0x102: {  	_ =	swait.ge [sflag:s19], $0x50  }
0x103: {  	[sflag:s19] =	ssyncset.done $0x0  }
0x104: {  	[sflag:s19] =	ssyncadd.s32 $0xFFFFFFB0  }
0x105: {  	_ =	sfence.sel $0x180000  }
0x106: {  	[bflag:$0x0] =	sbarrier.arrive $0xFFFF  }
0x107: {  	p0 =	sne.s32 s0, $0x0;
	_ =	strace $0x90000047  }
0x108: {  	s0 =	sadd.s32 @!p0 $0x100000, s1;
	[bflag:$0x2] =	sbarrier.arrive $0xFFFF  }
0x109: {  	[sflag:s0] =	ssyncadd.tile.s32 @!p0 $0x1;
	_ =	shalt  }
.Lfunc_end2:
_tile_overlayer_lowered:
.L_overlay_start_2:
0x10a: {  	(tag) =	ssettag $0x2  }
0x10b: {  	s0 =	rddreg [dreg:$0x0];
	s2 =	stileid.u32  }
0x10c: {  	s1 =	rddreg [dreg:$0x1];
	p0 =	sne.s32 s2, $0x0  }
0x10d: {  	s3 =	rddreg [dreg:$0x2];
	[bflag:$0x3] =	sbarrier.arrive $0xFFFF;
	s2 =	simm.s32 @!p0 $0x1C05  }
0x10e: {  	[timem:s3], [sflag:s2] =	dma.local @!p0 [hbm:s0], s1  }
0x10f: {  	s0 =	simm.s32 @!p0 $0x5  }
0x110: {  	_ =	swait.ge @!p0 [sflag:s0], s1  }
0x111: {  	s1 =	ssub.s32 @!p0 $0x0, s1;
	[sflag:s0] =	ssyncset.done @!p0 $0x0  }
0x112: {  	[sflag:s0] =	ssyncadd.s32 @!p0 s1  }
0x113: {  	[bflag:$0x3] =	sbarrier.arrive $0xFFFF  }
0x114: {  	_ =	shalt  }

</sc_bundles>
